<compile_context>
chip_gen: v7x
topology: tpu7x:2x2x1
jax: 0.10.2.dev20260603
libtpu: 0.0.44.dev20260713+nightly
codegen_flags: <defaults>
</compile_context>

<pallas_src>
import functools

import jax
import jax.numpy as jnp
from jax import lax
from jax.experimental import pallas as pl
from jax.experimental.pallas import tpu as pltpu
from jax.experimental.pallas import tpu_sc as plsc


_NUM_WORKERS = 32
_GATHER_WINDOW = 32
_BM = 1024


def _sc_gather(table, idx):
    n_tok = idx.shape[0]
    dim = table.shape[1]
    b_per_w = n_tok // _NUM_WORKERS
    ch = _GATHER_WINDOW
    n_ch = b_per_w // ch
    mesh = plsc.VectorSubcoreMesh(core_axis_name="c", subcore_axis_name="s")

    @functools.partial(
        pl.kernel,
        out_type=jax.ShapeDtypeStruct((n_tok, dim), table.dtype),
        mesh=mesh,
        scratch_types=[
            pltpu.VMEM((b_per_w,), jnp.int32),
            pltpu.VMEM((3, ch, dim), jnp.float32),
            pltpu.SemaphoreType.DMA,
            pltpu.SemaphoreType.DMA,
            pltpu.SemaphoreType.DMA,
            pltpu.SemaphoreType.DMA,
            pltpu.SemaphoreType.DMA,
            pltpu.SemaphoreType.DMA,
            pltpu.SemaphoreType.DMA,
        ],
    )
    def gather_kernel(table_hbm, idx_hbm, out_hbm, idx_v, rows_v, sem_i,
                      sg0, sg1, sg2, so0, so1, so2):
        wid = lax.axis_index("s") * 2 + lax.axis_index("c")
        base = wid * b_per_w
        pltpu.async_copy(idx_hbm.at[pl.ds(base, b_per_w)], idx_v, sem_i).wait()
        sg = (sg0, sg1, sg2)
        so = (so0, so1, so2)

        def g_copy(c):
            s = c % 3
            return pltpu.make_async_copy(
                table_hbm.at[idx_v.at[pl.ds(c * ch, ch)]], rows_v.at[s], sg[s])

        def o_copy(c):
            s = c % 3
            return pltpu.make_async_copy(
                rows_v.at[s], out_hbm.at[pl.ds(base + c * ch, ch)], so[s])

        for c in range(n_ch):
            if c >= 3:
                o_copy(c - 3).wait()
            g_copy(c).start()
            if c >= 1:
                g_copy(c - 1).wait()
                o_copy(c - 1).start()
        last = n_ch - 1
        for c in range(max(last - 2, 0), last):
            o_copy(c).wait()
        g_copy(last).wait()
        o_copy(last).start()
        o_copy(last).wait()

    return gather_kernel(table, idx)


def _mm_body(a_ref, w_ref, b_ref, o_ref):
    o_ref[...] = (
        jnp.dot(a_ref[...], w_ref[...], preferred_element_type=jnp.float32)
        + b_ref[...]
    )


def _tc_matmul(a, w, b2d):
    m, k = a.shape
    n = w.shape[1]
    return pl.pallas_call(
        _mm_body,
        grid=(m // _BM,),
        in_specs=[
            pl.BlockSpec((_BM, k), lambda i: (i, 0)),
            pl.BlockSpec((k, n), lambda i: (0, 0)),
            pl.BlockSpec((1, n), lambda i: (0, 0)),
        ],
        out_specs=pl.BlockSpec((_BM, n), lambda i: (i, 0)),
        out_shape=jax.ShapeDtypeStruct((m, n), jnp.float32),
    )(a, w, b2d)


def kernel(text_tokens, emb_table, proj_w, proj_b):
    bsz, seq = text_tokens.shape
    n_out = proj_w.shape[1]
    tokens = text_tokens.reshape(-1).astype(jnp.int32)
    gathered = _sc_gather(emb_table, tokens)
    out = _tc_matmul(gathered, proj_w, proj_b.reshape(1, n_out))
    return out.reshape(bsz, seq, n_out)

# --- scband reference (transcript-rebuilt; emitter-appended) ---
"""Pipeline reference for scband-stateless-text-conditioner-wrapper-53669911331351 (READ-ONLY COPY).

The authoritative reference and input builder live on the scoring server;
editing this copy changes nothing except your own understanding.
"""

import jax, jax.numpy as jnp
import numpy as np

VOCAB = 32000
DIM = 1024
OUT_DIM = 2048
B, T = 4, 4096

def setup_inputs(seed: int = 0) -> dict:
    key = jax.random.key(seed)
    k_tok, k_emb, k_w, k_b = jax.random.split(key, 4)
    text_tokens = jax.random.randint(k_tok, (B, T), 0, VOCAB, dtype=jnp.int64 if jax.config.jax_enable_x64 else jnp.int32)
    emb_table = jax.random.normal(k_emb, (VOCAB, DIM), dtype=jnp.float32) * 0.02
    proj_w = jax.random.normal(k_w, (DIM, OUT_DIM), dtype=jnp.float32) * (1.0 / np.sqrt(DIM))
    proj_b = jnp.zeros((OUT_DIM,), dtype=jnp.float32)
    return {"text_tokens": text_tokens, "emb_table": emb_table, "proj_w": proj_w, "proj_b": proj_b}

def reference(text_tokens, emb_table, proj_w, proj_b):
    # LUT-style text conditioner: embedding lookup followed by output projection
    # embeddings: [B, T, dim]
    embedded = jnp.take(emb_table, text_tokens, axis=0)
    # output_proj: [B, T, output_dim]
    out = jnp.einsum('btd,do->bto', embedded, proj_w) + proj_b
    return out

if __name__ == "__main__":
    import jax
    _d = setup_inputs()
    print(jax.jit(kernel)(*tuple(_d.values())))

</pallas_src>

<mosaic_0001>
#map = affine_map<(d0, d1) -> (0, 0)>
#map1 = affine_map<(d0, d1) -> (0)>
module attributes {stable_mosaic.version = 14 : i64} {
  func.func @gather_kernel(%arg0: i32, %arg1: i32, %arg2: memref<32000x1024xf32, #tpu.memory_space<hbm>>, %arg3: memref<16384xi32, #tpu.memory_space<hbm>>, %arg4: memref<16384x1024xf32, #tpu.memory_space<hbm>>, %arg5: memref<512xi32, #tpu.memory_space<vmem>>, %arg6: memref<3x32x1024xf32, #tpu.memory_space<vmem>>, %arg7: memref<!tpu.dma_semaphore, #tpu.memory_space<semaphore_mem>>, %arg8: memref<!tpu.dma_semaphore, #tpu.memory_space<semaphore_mem>>, %arg9: memref<!tpu.dma_semaphore, #tpu.memory_space<semaphore_mem>>, %arg10: memref<!tpu.dma_semaphore, #tpu.memory_space<semaphore_mem>>, %arg11: memref<!tpu.dma_semaphore, #tpu.memory_space<semaphore_mem>>, %arg12: memref<!tpu.dma_semaphore, #tpu.memory_space<semaphore_mem>>, %arg13: memref<!tpu.dma_semaphore, #tpu.memory_space<semaphore_mem>>) attributes {dimension_semantics = [#tpu.dimension_semantics<core_parallel>, #tpu.dimension_semantics<subcore_parallel>], iteration_bounds = array<i64: 2, 16>, scalar_prefetch = 0 : i64, scratch_operands = 9 : i64, tpu.core_type = #tpu.core_type<sc_vector_subcore>, window_params = [{transform_indices = #map}, {transform_indices = #map1}, {transform_indices = #map}]} {
    %mul3A = arith.constant 2 : i32
    %mul3A_0 = arith.muli %arg1, %mul3A : i32
    %add3A = arith.addi %mul3A_0, %arg0 : i32
    %mul3A_1 = arith.constant 512 : i32
    %mul3A_2 = arith.muli %add3A, %mul3A_1 : i32
    %dma_start3A = tpu.memref_slice %arg3[%mul3A_2] : memref<16384xi32, #tpu.memory_space<hbm>> -> memref<512xi32, #tpu.memory_space<hbm>>
    %dma_start3A_3 = tpu.memref_slice %arg3[%mul3A_2] : memref<16384xi32, #tpu.memory_space<hbm>> -> memref<512xi32, #tpu.memory_space<hbm>>
    tpu.enqueue_dma source(%dma_start3A_3 : memref<512xi32, #tpu.memory_space<hbm>>) target(%arg5 : memref<512xi32, #tpu.memory_space<vmem>>) target_semaphore(%arg7 : memref<!tpu.dma_semaphore, #tpu.memory_space<semaphore_mem>>)
    %dma_wait3A = tpu.memref_slice %arg3[%mul3A_2] : memref<16384xi32, #tpu.memory_space<hbm>> -> memref<512xi32, #tpu.memory_space<hbm>>
    %dma_wait3A_4 = tpu.memref_slice %arg3[%mul3A_2] : memref<16384xi32, #tpu.memory_space<hbm>> -> memref<512xi32, #tpu.memory_space<hbm>>
    tpu.wait_dma2 semaphore(%arg7 : memref<!tpu.dma_semaphore, #tpu.memory_space<semaphore_mem>>) src(%dma_wait3A_4 : memref<512xi32, #tpu.memory_space<hbm>>) dst(%arg5 : memref<512xi32, #tpu.memory_space<vmem>>)
    %dma_start3A_5 = arith.constant 0 : i32
    %dma_start3A_6 = arith.constant 0 : i32
    %dma_start3A_7 = arith.constant 0 : i32
    %dma_start3A_8 = tpu.memref_slice %arg6[%dma_start3A_5, %dma_start3A_6, %dma_start3A_7] : memref<3x32x1024xf32, #tpu.memory_space<vmem>> -> memref<1x32x1024xf32, #tpu.memory_space<vmem>>
    %dma_start3A_9 = tpu.memref_squeeze %dma_start3A_8 : memref<1x32x1024xf32, #tpu.memory_space<vmem>> -> memref<32x1024xf32, #tpu.memory_space<vmem>>
    %dma_start3A_10 = arith.constant 0 : i32
    %dma_start3A_11 = tpu.memref_slice %arg5[%dma_start3A_10] : memref<512xi32, #tpu.memory_space<vmem>> -> memref<32xi32, #tpu.memory_space<vmem>>
    %dma_start3A_12 = arith.constant 0 : i32
    %dma_start3A_13 = arith.constant 0 : i32
    %dma_start3A_14 = tpu.memref_slice %arg2[%dma_start3A_12, %dma_start3A_13] : memref<32000x1024xf32, #tpu.memory_space<hbm>> -> memref<32000x1024xf32, #tpu.memory_space<hbm>>
    tpu.enqueue_indirect_dma source(%dma_start3A_14 : memref<32000x1024xf32, #tpu.memory_space<hbm>>) target(%dma_start3A_9 : memref<32x1024xf32, #tpu.memory_space<vmem>>) offsets(%dma_start3A_11 : memref<32xi32, #tpu.memory_space<vmem>>) semaphore(%arg8 : memref<!tpu.dma_semaphore, #tpu.memory_space<semaphore_mem>>)
    %dma_start3A_15 = arith.constant 1 : i32
    %dma_start3A_16 = arith.constant 0 : i32
    %dma_start3A_17 = arith.constant 0 : i32
    %dma_start3A_18 = tpu.memref_slice %arg6[%dma_start3A_15, %dma_start3A_16, %dma_start3A_17] : memref<3x32x1024xf32, #tpu.memory_space<vmem>> -> memref<1x32x1024xf32, #tpu.memory_space<vmem>>
    %dma_start3A_19 = tpu.memref_squeeze %dma_start3A_18 : memref<1x32x1024xf32, #tpu.memory_space<vmem>> -> memref<32x1024xf32, #tpu.memory_space<vmem>>
    %dma_start3A_20 = arith.constant 32 : i32
    %dma_start3A_21 = tpu.memref_slice %arg5[%dma_start3A_20] : memref<512xi32, #tpu.memory_space<vmem>> -> memref<32xi32, #tpu.memory_space<vmem>>
    %dma_start3A_22 = arith.constant 0 : i32
    %dma_start3A_23 = arith.constant 0 : i32
    %dma_start3A_24 = tpu.memref_slice %arg2[%dma_start3A_22, %dma_start3A_23] : memref<32000x1024xf32, #tpu.memory_space<hbm>> -> memref<32000x1024xf32, #tpu.memory_space<hbm>>
    tpu.enqueue_indirect_dma source(%dma_start3A_24 : memref<32000x1024xf32, #tpu.memory_space<hbm>>) target(%dma_start3A_19 : memref<32x1024xf32, #tpu.memory_space<vmem>>) offsets(%dma_start3A_21 : memref<32xi32, #tpu.memory_space<vmem>>) semaphore(%arg9 : memref<!tpu.dma_semaphore, #tpu.memory_space<semaphore_mem>>)
    %dma_wait3A_25 = arith.constant 0 : i32
    %dma_wait3A_26 = arith.constant 0 : i32
    %dma_wait3A_27 = arith.constant 0 : i32
    %dma_wait3A_28 = tpu.memref_slice %arg6[%dma_wait3A_25, %dma_wait3A_26, %dma_wait3A_27] : memref<3x32x1024xf32, #tpu.memory_space<vmem>> -> memref<1x32x1024xf32, #tpu.memory_space<vmem>>
    %dma_wait3A_29 = tpu.memref_squeeze %dma_wait3A_28 : memref<1x32x1024xf32, #tpu.memory_space<vmem>> -> memref<32x1024xf32, #tpu.memory_space<vmem>>
    %dma_wait3A_30 = arith.constant 0 : i32
    %dma_wait3A_31 = tpu.memref_slice %arg5[%dma_wait3A_30] : memref<512xi32, #tpu.memory_space<vmem>> -> memref<32xi32, #tpu.memory_space<vmem>>
    %dma_wait3A_32 = arith.constant 0 : i32
    %dma_wait3A_33 = arith.constant 0 : i32
    %dma_wait3A_34 = tpu.memref_slice %arg2[%dma_wait3A_32, %dma_wait3A_33] : memref<32000x1024xf32, #tpu.memory_space<hbm>> -> memref<32000x1024xf32, #tpu.memory_space<hbm>>
    tpu.wait_indirect_dma semaphore(%arg8 : memref<!tpu.dma_semaphore, #tpu.memory_space<semaphore_mem>>) src(%dma_wait3A_34 : memref<32000x1024xf32, #tpu.memory_space<hbm>>) dst(%dma_wait3A_29 : memref<32x1024xf32, #tpu.memory_space<vmem>>)
    %add3A_35 = arith.constant 0 : i32
    %add3A_36 = arith.addi %mul3A_2, %add3A_35 : i32
    %dma_start3A_37 = arith.constant 0 : i32
    %dma_start3A_38 = arith.constant 0 : i32
    %dma_start3A_39 = arith.constant 0 : i32
    %dma_start3A_40 = tpu.memref_slice %arg6[%dma_start3A_37, %dma_start3A_38, %dma_start3A_39] : memref<3x32x1024xf32, #tpu.memory_space<vmem>> -> memref<1x32x1024xf32, #tpu.memory_space<vmem>>
    %dma_start3A_41 = tpu.memref_squeeze %dma_start3A_40 : memref<1x32x1024xf32, #tpu.memory_space<vmem>> -> memref<32x1024xf32, #tpu.memory_space<vmem>>
    %dma_start3A_42 = arith.constant 0 : i32
    %dma_start3A_43 = tpu.memref_slice %arg4[%add3A_36, %dma_start3A_42] : memref<16384x1024xf32, #tpu.memory_space<hbm>> -> memref<32x1024xf32, #tpu.memory_space<hbm>>
    %dma_start3A_44 = arith.constant 0 : i32
    %dma_start3A_45 = tpu.memref_slice %arg4[%add3A_36, %dma_start3A_44] : memref<16384x1024xf32, #tpu.memory_space<hbm>> -> memref<32x1024xf32, #tpu.memory_space<hbm>>
    %dma_start3A_46 = arith.constant 0 : i32
    %dma_start3A_47 = arith.constant 0 : i32
    %dma_start3A_48 = tpu.memref_slice %arg6[%dma_start3A_37, %dma_start3A_46, %dma_start3A_47] : memref<3x32x1024xf32, #tpu.memory_space<vmem>> -> memref<1x32x1024xf32, #tpu.memory_space<vmem>>
    %dma_start3A_49 = tpu.memref_squeeze %dma_start3A_48 : memref<1x32x1024xf32, #tpu.memory_space<vmem>> -> memref<32x1024xf32, #tpu.memory_space<vmem>>
    tpu.enqueue_dma source(%dma_start3A_49 : memref<32x1024xf32, #tpu.memory_space<vmem>>) target(%dma_start3A_45 : memref<32x1024xf32, #tpu.memory_space<hbm>>) target_semaphore(%arg11 : memref<!tpu.dma_semaphore, #tpu.memory_space<semaphore_mem>>)
    %dma_start3A_50 = arith.constant 2 : i32
    %dma_start3A_51 = arith.constant 0 : i32
    %dma_start3A_52 = arith.constant 0 : i32
    %dma_start3A_53 = tpu.memref_slice %arg6[%dma_start3A_50, %dma_start3A_51, %dma_start3A_52] : memref<3x32x1024xf32, #tpu.memory_space<vmem>> -> memref<1x32x1024xf32, #tpu.memory_space<vmem>>
    %dma_start3A_54 = tpu.memref_squeeze %dma_start3A_53 : memref<1x32x1024xf32, #tpu.memory_space<vmem>> -> memref<32x1024xf32, #tpu.memory_space<vmem>>
    %dma_start3A_55 = arith.constant 64 : i32
    %dma_start3A_56 = tpu.memref_slice %arg5[%dma_start3A_55] : memref<512xi32, #tpu.memory_space<vmem>> -> memref<32xi32, #tpu.memory_space<vmem>>
    %dma_start3A_57 = arith.constant 0 : i32
    %dma_start3A_58 = arith.constant 0 : i32
    %dma_start3A_59 = tpu.memref_slice %arg2[%dma_start3A_57, %dma_start3A_58] : memref<32000x1024xf32, #tpu.memory_space<hbm>> -> memref<32000x1024xf32, #tpu.memory_space<hbm>>
    tpu.enqueue_indirect_dma source(%dma_start3A_59 : memref<32000x1024xf32, #tpu.memory_space<hbm>>) target(%dma_start3A_54 : memref<32x1024xf32, #tpu.memory_space<vmem>>) offsets(%dma_start3A_56 : memref<32xi32, #tpu.memory_space<vmem>>) semaphore(%arg10 : memref<!tpu.dma_semaphore, #tpu.memory_space<semaphore_mem>>)
    %dma_wait3A_60 = arith.constant 1 : i32
    %dma_wait3A_61 = arith.constant 0 : i32
    %dma_wait3A_62 = arith.constant 0 : i32
    %dma_wait3A_63 = tpu.memref_slice %arg6[%dma_wait3A_60, %dma_wait3A_61, %dma_wait3A_62] : memref<3x32x1024xf32, #tpu.memory_space<vmem>> -> memref<1x32x1024xf32, #tpu.memory_space<vmem>>
    %dma_wait3A_64 = tpu.memref_squeeze %dma_wait3A_63 : memref<1x32x1024xf32, #tpu.memory_space<vmem>> -> memref<32x1024xf32, #tpu.memory_space<vmem>>
    %dma_wait3A_65 = arith.constant 32 : i32
    %dma_wait3A_66 = tpu.memref_slice %arg5[%dma_wait3A_65] : memref<512xi32, #tpu.memory_space<vmem>> -> memref<32xi32, #tpu.memory_space<vmem>>
    %dma_wait3A_67 = arith.constant 0 : i32
    %dma_wait3A_68 = arith.constant 0 : i32
    %dma_wait3A_69 = tpu.memref_slice %arg2[%dma_wait3A_67, %dma_wait3A_68] : memref<32000x1024xf32, #tpu.memory_space<hbm>> -> memref<32000x1024xf32, #tpu.memory_space<hbm>>
    tpu.wait_indirect_dma semaphore(%arg9 : memref<!tpu.dma_semaphore, #tpu.memory_space<semaphore_mem>>) src(%dma_wait3A_69 : memref<32000x1024xf32, #tpu.memory_space<hbm>>) dst(%dma_wait3A_64 : memref<32x1024xf32, #tpu.memory_space<vmem>>)
    %add3A_70 = arith.constant 32 : i32
    %add3A_71 = arith.addi %mul3A_2, %add3A_70 : i32
    %dma_start3A_72 = arith.constant 1 : i32
    %dma_start3A_73 = arith.constant 0 : i32
    %dma_start3A_74 = arith.constant 0 : i32
    %dma_start3A_75 = tpu.memref_slice %arg6[%dma_start3A_72, %dma_start3A_73, %dma_start3A_74] : memref<3x32x1024xf32, #tpu.memory_space<vmem>> -> memref<1x32x1024xf32, #tpu.memory_space<vmem>>
    %dma_start3A_76 = tpu.memref_squeeze %dma_start3A_75 : memref<1x32x1024xf32, #tpu.memory_space<vmem>> -> memref<32x1024xf32, #tpu.memory_space<vmem>>
    %dma_start3A_77 = arith.constant 0 : i32
    %dma_start3A_78 = tpu.memref_slice %arg4[%add3A_71, %dma_start3A_77] : memref<16384x1024xf32, #tpu.memory_space<hbm>> -> memref<32x1024xf32, #tpu.memory_space<hbm>>
    %dma_start3A_79 = arith.constant 0 : i32
    %dma_start3A_80 = tpu.memref_slice %arg4[%add3A_71, %dma_start3A_79] : memref<16384x1024xf32, #tpu.memory_space<hbm>> -> memref<32x1024xf32, #tpu.memory_space<hbm>>
    %dma_start3A_81 = arith.constant 0 : i32
    %dma_start3A_82 = arith.constant 0 : i32
    %dma_start3A_83 = tpu.memref_slice %arg6[%dma_start3A_72, %dma_start3A_81, %dma_start3A_82] : memref<3x32x1024xf32, #tpu.memory_space<vmem>> -> memref<1x32x1024xf32, #tpu.memory_space<vmem>>
    %dma_start3A_84 = tpu.memref_squeeze %dma_start3A_83 : memref<1x32x1024xf32, #tpu.memory_space<vmem>> -> memref<32x1024xf32, #tpu.memory_space<vmem>>
    tpu.enqueue_dma source(%dma_start3A_84 : memref<32x1024xf32, #tpu.memory_space<vmem>>) target(%dma_start3A_80 : memref<32x1024xf32, #tpu.memory_space<hbm>>) target_semaphore(%arg12 : memref<!tpu.dma_semaphore, #tpu.memory_space<semaphore_mem>>)
    %add3A_85 = arith.constant 0 : i32
    %add3A_86 = arith.addi %mul3A_2, %add3A_85 : i32
    %dma_wait3A_87 = arith.constant 0 : i32
    %dma_wait3A_88 = arith.constant 0 : i32
    %dma_wait3A_89 = arith.constant 0 : i32
    %dma_wait3A_90 = tpu.memref_slice %arg6[%dma_wait3A_87, %dma_wait3A_88, %dma_wait3A_89] : memref<3x32x1024xf32, #tpu.memory_space<vmem>> -> memref<1x32x1024xf32, #tpu.memory_space<vmem>>
    %dma_wait3A_91 = tpu.memref_squeeze %dma_wait3A_90 : memref<1x32x1024xf32, #tpu.memory_space<vmem>> -> memref<32x1024xf32, #tpu.memory_space<vmem>>
    %dma_wait3A_92 = arith.constant 0 : i32
    %dma_wait3A_93 = tpu.memref_slice %arg4[%add3A_86, %dma_wait3A_92] : memref<16384x1024xf32, #tpu.memory_space<hbm>> -> memref<32x1024xf32, #tpu.memory_space<hbm>>
    %dma_wait3A_94 = arith.constant 0 : i32
    %dma_wait3A_95 = tpu.memref_slice %arg4[%add3A_86, %dma_wait3A_94] : memref<16384x1024xf32, #tpu.memory_space<hbm>> -> memref<32x1024xf32, #tpu.memory_space<hbm>>
    %dma_wait3A_96 = arith.constant 0 : i32
    %dma_wait3A_97 = arith.constant 0 : i32
    %dma_wait3A_98 = tpu.memref_slice %arg6[%dma_wait3A_87, %dma_wait3A_96, %dma_wait3A_97] : memref<3x32x1024xf32, #tpu.memory_space<vmem>> -> memref<1x32x1024xf32, #tpu.memory_space<vmem>>
    %dma_wait3A_99 = tpu.memref_squeeze %dma_wait3A_98 : memref<1x32x1024xf32, #tpu.memory_space<vmem>> -> memref<32x1024xf32, #tpu.memory_space<vmem>>
    tpu.wait_dma2 semaphore(%arg11 : memref<!tpu.dma_semaphore, #tpu.memory_space<semaphore_mem>>) src(%dma_wait3A_99 : memref<32x1024xf32, #tpu.memory_space<vmem>>) dst(%dma_wait3A_95 : memref<32x1024xf32, #tpu.memory_space<hbm>>)
    %dma_start3A_100 = arith.constant 0 : i32
    %dma_start3A_101 = arith.constant 0 : i32
    %dma_start3A_102 = arith.constant 0 : i32
    %dma_start3A_103 = tpu.memref_slice %arg6[%dma_start3A_100, %dma_start3A_101, %dma_start3A_102] : memref<3x32x1024xf32, #tpu.memory_space<vmem>> -> memref<1x32x1024xf32, #tpu.memory_space<vmem>>
    %dma_start3A_104 = tpu.memref_squeeze %dma_start3A_103 : memref<1x32x1024xf32, #tpu.memory_space<vmem>> -> memref<32x1024xf32, #tpu.memory_space<vmem>>
    %dma_start3A_105 = arith.constant 96 : i32
    %dma_start3A_106 = tpu.memref_slice %arg5[%dma_start3A_105] : memref<512xi32, #tpu.memory_space<vmem>> -> memref<32xi32, #tpu.memory_space<vmem>>
    %dma_start3A_107 = arith.constant 0 : i32
    %dma_start3A_108 = arith.constant 0 : i32
    %dma_start3A_109 = tpu.memref_slice %arg2[%dma_start3A_107, %dma_start3A_108] : memref<32000x1024xf32, #tpu.memory_space<hbm>> -> memref<32000x1024xf32, #tpu.memory_space<hbm>>
    tpu.enqueue_indirect_dma source(%dma_start3A_109 : memref<32000x1024xf32, #tpu.memory_space<hbm>>) target(%dma_start3A_104 : memref<32x1024xf32, #tpu.memory_space<vmem>>) offsets(%dma_start3A_106 : memref<32xi32, #tpu.memory_space<vmem>>) semaphore(%arg8 : memref<!tpu.dma_semaphore, #tpu.memory_space<semaphore_mem>>)
    %dma_wait3A_110 = arith.constant 2 : i32
    %dma_wait3A_111 = arith.constant 0 : i32
    %dma_wait3A_112 = arith.constant 0 : i32
    %dma_wait3A_113 = tpu.memref_slice %arg6[%dma_wait3A_110, %dma_wait3A_111, %dma_wait3A_112] : memref<3x32x1024xf32, #tpu.memory_space<vmem>> -> memref<1x32x1024xf32, #tpu.memory_space<vmem>>
    %dma_wait3A_114 = tpu.memref_squeeze %dma_wait3A_113 : memref<1x32x1024xf32, #tpu.memory_space<vmem>> -> memref<32x1024xf32, #tpu.memory_space<vmem>>
    %dma_wait3A_115 = arith.constant 64 : i32
    %dma_wait3A_116 = tpu.memref_slice %arg5[%dma_wait3A_115] : memref<512xi32, #tpu.memory_space<vmem>> -> memref<32xi32, #tpu.memory_space<vmem>>
    %dma_wait3A_117 = arith.constant 0 : i32
    %dma_wait3A_118 = arith.constant 0 : i32
    %dma_wait3A_119 = tpu.memref_slice %arg2[%dma_wait3A_117, %dma_wait3A_118] : memref<32000x1024xf32, #tpu.memory_space<hbm>> -> memref<32000x1024xf32, #tpu.memory_space<hbm>>
    tpu.wait_indirect_dma semaphore(%arg10 : memref<!tpu.dma_semaphore, #tpu.memory_space<semaphore_mem>>) src(%dma_wait3A_119 : memref<32000x1024xf32, #tpu.memory_space<hbm>>) dst(%dma_wait3A_114 : memref<32x1024xf32, #tpu.memory_space<vmem>>)
    %add3A_120 = arith.constant 64 : i32
    %add3A_121 = arith.addi %mul3A_2, %add3A_120 : i32
    %dma_start3A_122 = arith.constant 2 : i32
    %dma_start3A_123 = arith.constant 0 : i32
    %dma_start3A_124 = arith.constant 0 : i32
    %dma_start3A_125 = tpu.memref_slice %arg6[%dma_start3A_122, %dma_start3A_123, %dma_start3A_124] : memref<3x32x1024xf32, #tpu.memory_space<vmem>> -> memref<1x32x1024xf32, #tpu.memory_space<vmem>>
    %dma_start3A_126 = tpu.memref_squeeze %dma_start3A_125 : memref<1x32x1024xf32, #tpu.memory_space<vmem>> -> memref<32x1024xf32, #tpu.memory_space<vmem>>
    %dma_start3A_127 = arith.constant 0 : i32
    %dma_start3A_128 = tpu.memref_slice %arg4[%add3A_121, %dma_start3A_127] : memref<16384x1024xf32, #tpu.memory_space<hbm>> -> memref<32x1024xf32, #tpu.memory_space<hbm>>
    %dma_start3A_129 = arith.constant 0 : i32
    %dma_start3A_130 = tpu.memref_slice %arg4[%add3A_121, %dma_start3A_129] : memref<16384x1024xf32, #tpu.memory_space<hbm>> -> memref<32x1024xf32, #tpu.memory_space<hbm>>
    %dma_start3A_131 = arith.constant 0 : i32
    %dma_start3A_132 = arith.constant 0 : i32
    %dma_start3A_133 = tpu.memref_slice %arg6[%dma_start3A_122, %dma_start3A_131, %dma_start3A_132] : memref<3x32x1024xf32, #tpu.memory_space<vmem>> -> memref<1x32x1024xf32, #tpu.memory_space<vmem>>
    %dma_start3A_134 = tpu.memref_squeeze %dma_start3A_133 : memref<1x32x1024xf32, #tpu.memory_space<vmem>> -> memref<32x1024xf32, #tpu.memory_space<vmem>>
    tpu.enqueue_dma source(%dma_start3A_134 : memref<32x1024xf32, #tpu.memory_space<vmem>>) target(%dma_start3A_130 : memref<32x1024xf32, #tpu.memory_space<hbm>>) target_semaphore(%arg13 : memref<!tpu.dma_semaphore, #tpu.memory_space<semaphore_mem>>)
    %add3A_135 = arith.constant 32 : i32
    %add3A_136 = arith.addi %mul3A_2, %add3A_135 : i32
    %dma_wait3A_137 = arith.constant 1 : i32
    %dma_wait3A_138 = arith.constant 0 : i32
    %dma_wait3A_139 = arith.constant 0 : i32
    %dma_wait3A_140 = tpu.memref_slice %arg6[%dma_wait3A_137, %dma_wait3A_138, %dma_wait3A_139] : memref<3x32x1024xf32, #tpu.memory_space<vmem>> -> memref<1x32x1024xf32, #tpu.memory_space<vmem>>
    %dma_wait3A_141 = tpu.memref_squeeze %dma_wait3A_140 : memref<1x32x1024xf32, #tpu.memory_space<vmem>> -> memref<32x1024xf32, #tpu.memory_space<vmem>>
    %dma_wait3A_142 = arith.constant 0 : i32
    %dma_wait3A_143 = tpu.memref_slice %arg4[%add3A_136, %dma_wait3A_142] : memref<16384x1024xf32, #tpu.memory_space<hbm>> -> memref<32x1024xf32, #tpu.memory_space<hbm>>
    %dma_wait3A_144 = arith.constant 0 : i32
    %dma_wait3A_145 = tpu.memref_slice %arg4[%add3A_136, %dma_wait3A_144] : memref<16384x1024xf32, #tpu.memory_space<hbm>> -> memref<32x1024xf32, #tpu.memory_space<hbm>>
    %dma_wait3A_146 = arith.constant 0 : i32
    %dma_wait3A_147 = arith.constant 0 : i32
    %dma_wait3A_148 = tpu.memref_slice %arg6[%dma_wait3A_137, %dma_wait3A_146, %dma_wait3A_147] : memref<3x32x1024xf32, #tpu.memory_space<vmem>> -> memref<1x32x1024xf32, #tpu.memory_space<vmem>>
    %dma_wait3A_149 = tpu.memref_squeeze %dma_wait3A_148 : memref<1x32x1024xf32, #tpu.memory_space<vmem>> -> memref<32x1024xf32, #tpu.memory_space<vmem>>
    tpu.wait_dma2 semaphore(%arg12 : memref<!tpu.dma_semaphore, #tpu.memory_space<semaphore_mem>>) src(%dma_wait3A_149 : memref<32x1024xf32, #tpu.memory_space<vmem>>) dst(%dma_wait3A_145 : memref<32x1024xf32, #tpu.memory_space<hbm>>)
    %dma_start3A_150 = arith.constant 1 : i32
    %dma_start3A_151 = arith.constant 0 : i32
    %dma_start3A_152 = arith.constant 0 : i32
    %dma_start3A_153 = tpu.memref_slice %arg6[%dma_start3A_150, %dma_start3A_151, %dma_start3A_152] : memref<3x32x1024xf32, #tpu.memory_space<vmem>> -> memref<1x32x1024xf32, #tpu.memory_space<vmem>>
    %dma_start3A_154 = tpu.memref_squeeze %dma_start3A_153 : memref<1x32x1024xf32, #tpu.memory_space<vmem>> -> memref<32x1024xf32, #tpu.memory_space<vmem>>
    %dma_start3A_155 = arith.constant 128 : i32
    %dma_start3A_156 = tpu.memref_slice %arg5[%dma_start3A_155] : memref<512xi32, #tpu.memory_space<vmem>> -> memref<32xi32, #tpu.memory_space<vmem>>
    %dma_start3A_157 = arith.constant 0 : i32
    %dma_start3A_158 = arith.constant 0 : i32
    %dma_start3A_159 = tpu.memref_slice %arg2[%dma_start3A_157, %dma_start3A_158] : memref<32000x1024xf32, #tpu.memory_space<hbm>> -> memref<32000x1024xf32, #tpu.memory_space<hbm>>
    tpu.enqueue_indirect_dma source(%dma_start3A_159 : memref<32000x1024xf32, #tpu.memory_space<hbm>>) target(%dma_start3A_154 : memref<32x1024xf32, #tpu.memory_space<vmem>>) offsets(%dma_start3A_156 : memref<32xi32, #tpu.memory_space<vmem>>) semaphore(%arg9 : memref<!tpu.dma_semaphore, #tpu.memory_space<semaphore_mem>>)
    %dma_wait3A_160 = arith.constant 0 : i32
    %dma_wait3A_161 = arith.constant 0 : i32
    %dma_wait3A_162 = arith.constant 0 : i32
    %dma_wait3A_163 = tpu.memref_slice %arg6[%dma_wait3A_160, %dma_wait3A_161, %dma_wait3A_162] : memref<3x32x1024xf32, #tpu.memory_space<vmem>> -> memref<1x32x1024xf32, #tpu.memory_space<vmem>>
    %dma_wait3A_164 = tpu.memref_squeeze %dma_wait3A_163 : memref<1x32x1024xf32, #tpu.memory_space<vmem>> -> memref<32x1024xf32, #tpu.memory_space<vmem>>
    %dma_wait3A_165 = arith.constant 96 : i32
    %dma_wait3A_166 = tpu.memref_slice %arg5[%dma_wait3A_165] : memref<512xi32, #tpu.memory_space<vmem>> -> memref<32xi32, #tpu.memory_space<vmem>>
    %dma_wait3A_167 = arith.constant 0 : i32
    %dma_wait3A_168 = arith.constant 0 : i32
    %dma_wait3A_169 = tpu.memref_slice %arg2[%dma_wait3A_167, %dma_wait3A_168] : memref<32000x1024xf32, #tpu.memory_space<hbm>> -> memref<32000x1024xf32, #tpu.memory_space<hbm>>
    tpu.wait_indirect_dma semaphore(%arg8 : memref<!tpu.dma_semaphore, #tpu.memory_space<semaphore_mem>>) src(%dma_wait3A_169 : memref<32000x1024xf32, #tpu.memory_space<hbm>>) dst(%dma_wait3A_164 : memref<32x1024xf32, #tpu.memory_space<vmem>>)
    %add3A_170 = arith.constant 96 : i32
    %add3A_171 = arith.addi %mul3A_2, %add3A_170 : i32
    %dma_start3A_172 = arith.constant 0 : i32
    %dma_start3A_173 = arith.constant 0 : i32
    %dma_start3A_174 = arith.constant 0 : i32
    %dma_start3A_175 = tpu.memref_slice %arg6[%dma_start3A_172, %dma_start3A_173, %dma_start3A_174] : memref<3x32x1024xf32, #tpu.memory_space<vmem>> -> memref<1x32x1024xf32, #tpu.memory_space<vmem>>
    %dma_start3A_176 = tpu.memref_squeeze %dma_start3A_175 : memref<1x32x1024xf32, #tpu.memory_space<vmem>> -> memref<32x1024xf32, #tpu.memory_space<vmem>>
    %dma_start3A_177 = arith.constant 0 : i32
    %dma_start3A_178 = tpu.memref_slice %arg4[%add3A_171, %dma_start3A_177] : memref<16384x1024xf32, #tpu.memory_space<hbm>> -> memref<32x1024xf32, #tpu.memory_space<hbm>>
    %dma_start3A_179 = arith.constant 0 : i32
    %dma_start3A_180 = tpu.memref_slice %arg4[%add3A_171, %dma_start3A_179] : memref<16384x1024xf32, #tpu.memory_space<hbm>> -> memref<32x1024xf32, #tpu.memory_space<hbm>>
    %dma_start3A_181 = arith.constant 0 : i32
    %dma_start3A_182 = arith.constant 0 : i32
    %dma_start3A_183 = tpu.memref_slice %arg6[%dma_start3A_172, %dma_start3A_181, %dma_start3A_182] : memref<3x32x1024xf32, #tpu.memory_space<vmem>> -> memref<1x32x1024xf32, #tpu.memory_space<vmem>>
    %dma_start3A_184 = tpu.memref_squeeze %dma_start3A_183 : memref<1x32x1024xf32, #tpu.memory_space<vmem>> -> memref<32x1024xf32, #tpu.memory_space<vmem>>
    tpu.enqueue_dma source(%dma_start3A_184 : memref<32x1024xf32, #tpu.memory_space<vmem>>) target(%dma_start3A_180 : memref<32x1024xf32, #tpu.memory_space<hbm>>) target_semaphore(%arg11 : memref<!tpu.dma_semaphore, #tpu.memory_space<semaphore_mem>>)
    %add3A_185 = arith.constant 64 : i32
    %add3A_186 = arith.addi %mul3A_2, %add3A_185 : i32
    %dma_wait3A_187 = arith.constant 2 : i32
    %dma_wait3A_188 = arith.constant 0 : i32
    %dma_wait3A_189 = arith.constant 0 : i32
    %dma_wait3A_190 = tpu.memref_slice %arg6[%dma_wait3A_187, %dma_wait3A_188, %dma_wait3A_189] : memref<3x32x1024xf32, #tpu.memory_space<vmem>> -> memref<1x32x1024xf32, #tpu.memory_space<vmem>>
    %dma_wait3A_191 = tpu.memref_squeeze %dma_wait3A_190 : memref<1x32x1024xf32, #tpu.memory_space<vmem>> -> memref<32x1024xf32, #tpu.memory_space<vmem>>
    %dma_wait3A_192 = arith.constant 0 : i32
    %dma_wait3A_193 = tpu.memref_slice %arg4[%add3A_186, %dma_wait3A_192] : memref<16384x1024xf32, #tpu.memory_space<hbm>> -> memref<32x1024xf32, #tpu.memory_space<hbm>>
    %dma_wait3A_194 = arith.constant 0 : i32
    %dma_wait3A_195 = tpu.memref_slice %arg4[%add3A_186, %dma_wait3A_194] : memref<16384x1024xf32, #tpu.memory_space<hbm>> -> memref<32x1024xf32, #tpu.memory_space<hbm>>
    %dma_wait3A_196 = arith.constant 0 : i32
    %dma_wait3A_197 = arith.constant 0 : i32
    %dma_wait3A_198 = tpu.memref_slice %arg6[%dma_wait3A_187, %dma_wait3A_196, %dma_wait3A_197] : memref<3x32x1024xf32, #tpu.memory_space<vmem>> -> memref<1x32x1024xf32, #tpu.memory_space<vmem>>
    %dma_wait3A_199 = tpu.memref_squeeze %dma_wait3A_198 : memref<1x32x1024xf32, #tpu.memory_space<vmem>> -> memref<32x1024xf32, #tpu.memory_space<vmem>>
    tpu.wait_dma2 semaphore(%arg13 : memref<!tpu.dma_semaphore, #tpu.memory_space<semaphore_mem>>) src(%dma_wait3A_199 : memref<32x1024xf32, #tpu.memory_space<vmem>>) dst(%dma_wait3A_195 : memref<32x1024xf32, #tpu.memory_space<hbm>>)
    %dma_start3A_200 = arith.constant 2 : i32
    %dma_start3A_201 = arith.constant 0 : i32
    %dma_start3A_202 = arith.constant 0 : i32
    %dma_start3A_203 = tpu.memref_slice %arg6[%dma_start3A_200, %dma_start3A_201, %dma_start3A_202] : memref<3x32x1024xf32, #tpu.memory_space<vmem>> -> memref<1x32x1024xf32, #tpu.memory_space<vmem>>
    %dma_start3A_204 = tpu.memref_squeeze %dma_start3A_203 : memref<1x32x1024xf32, #tpu.memory_space<vmem>> -> memref<32x1024xf32, #tpu.memory_space<vmem>>
    %dma_start3A_205 = arith.constant 160 : i32
    %dma_start3A_206 = tpu.memref_slice %arg5[%dma_start3A_205] : memref<512xi32, #tpu.memory_space<vmem>> -> memref<32xi32, #tpu.memory_space<vmem>>
    %dma_start3A_207 = arith.constant 0 : i32
    %dma_start3A_208 = arith.constant 0 : i32
    %dma_start3A_209 = tpu.memref_slice %arg2[%dma_start3A_207, %dma_start3A_208] : memref<32000x1024xf32, #tpu.memory_space<hbm>> -> memref<32000x1024xf32, #tpu.memory_space<hbm>>
    tpu.enqueue_indirect_dma source(%dma_start3A_209 : memref<32000x1024xf32, #tpu.memory_space<hbm>>) target(%dma_start3A_204 : memref<32x1024xf32, #tpu.memory_space<vmem>>) offsets(%dma_start3A_206 : memref<32xi32, #tpu.memory_space<vmem>>) semaphore(%arg10 : memref<!tpu.dma_semaphore, #tpu.memory_space<semaphore_mem>>)
    %dma_wait3A_210 = arith.constant 1 : i32
    %dma_wait3A_211 = arith.constant 0 : i32
    %dma_wait3A_212 = arith.constant 0 : i32
    %dma_wait3A_213 = tpu.memref_slice %arg6[%dma_wait3A_210, %dma_wait3A_211, %dma_wait3A_212] : memref<3x32x1024xf32, #tpu.memory_space<vmem>> -> memref<1x32x1024xf32, #tpu.memory_space<vmem>>
    %dma_wait3A_214 = tpu.memref_squeeze %dma_wait3A_213 : memref<1x32x1024xf32, #tpu.memory_space<vmem>> -> memref<32x1024xf32, #tpu.memory_space<vmem>>
    %dma_wait3A_215 = arith.constant 128 : i32
    %dma_wait3A_216 = tpu.memref_slice %arg5[%dma_wait3A_215] : memref<512xi32, #tpu.memory_space<vmem>> -> memref<32xi32, #tpu.memory_space<vmem>>
    %dma_wait3A_217 = arith.constant 0 : i32
    %dma_wait3A_218 = arith.constant 0 : i32
    %dma_wait3A_219 = tpu.memref_slice %arg2[%dma_wait3A_217, %dma_wait3A_218] : memref<32000x1024xf32, #tpu.memory_space<hbm>> -> memref<32000x1024xf32, #tpu.memory_space<hbm>>
    tpu.wait_indirect_dma semaphore(%arg9 : memref<!tpu.dma_semaphore, #tpu.memory_space<semaphore_mem>>) src(%dma_wait3A_219 : memref<32000x1024xf32, #tpu.memory_space<hbm>>) dst(%dma_wait3A_214 : memref<32x1024xf32, #tpu.memory_space<vmem>>)
    %add3A_220 = arith.constant 128 : i32
    %add3A_221 = arith.addi %mul3A_2, %add3A_220 : i32
    %dma_start3A_222 = arith.constant 1 : i32
    %dma_start3A_223 = arith.constant 0 : i32
    %dma_start3A_224 = arith.constant 0 : i32
    %dma_start3A_225 = tpu.memref_slice %arg6[%dma_start3A_222, %dma_start3A_223, %dma_start3A_224] : memref<3x32x1024xf32, #tpu.memory_space<vmem>> -> memref<1x32x1024xf32, #tpu.memory_space<vmem>>
    %dma_start3A_226 = tpu.memref_squeeze %dma_start3A_225 : memref<1x32x1024xf32, #tpu.memory_space<vmem>> -> memref<32x1024xf32, #tpu.memory_space<vmem>>
    %dma_start3A_227 = arith.constant 0 : i32
    %dma_start3A_228 = tpu.memref_slice %arg4[%add3A_221, %dma_start3A_227] : memref<16384x1024xf32, #tpu.memory_space<hbm>> -> memref<32x1024xf32, #tpu.memory_space<hbm>>
    %dma_start3A_229 = arith.constant 0 : i32
    %dma_start3A_230 = tpu.memref_slice %arg4[%add3A_221, %dma_start3A_229] : memref<16384x1024xf32, #tpu.memory_space<hbm>> -> memref<32x1024xf32, #tpu.memory_space<hbm>>
    %dma_start3A_231 = arith.constant 0 : i32
    %dma_start3A_232 = arith.constant 0 : i32
    %dma_start3A_233 = tpu.memref_slice %arg6[%dma_start3A_222, %dma_start3A_231, %dma_start3A_232] : memref<3x32x1024xf32, #tpu.memory_space<vmem>> -> memref<1x32x1024xf32, #tpu.memory_space<vmem>>
    %dma_start3A_234 = tpu.memref_squeeze %dma_start3A_233 : memref<1x32x1024xf32, #tpu.memory_space<vmem>> -> memref<32x1024xf32, #tpu.memory_space<vmem>>
    tpu.enqueue_dma source(%dma_start3A_234 : memref<32x1024xf32, #tpu.memory_space<vmem>>) target(%dma_start3A_230 : memref<32x1024xf32, #tpu.memory_space<hbm>>) target_semaphore(%arg12 : memref<!tpu.dma_semaphore, #tpu.memory_space<semaphore_mem>>)
    %add3A_235 = arith.constant 96 : i32
    %add3A_236 = arith.addi %mul3A_2, %add3A_235 : i32
    %dma_wait3A_237 = arith.constant 0 : i32
    %dma_wait3A_238 = arith.constant 0 : i32
    %dma_wait3A_239 = arith.constant 0 : i32
    %dma_wait3A_240 = tpu.memref_slice %arg6[%dma_wait3A_237, %dma_wait3A_238, %dma_wait3A_239] : memref<3x32x1024xf32, #tpu.memory_space<vmem>> -> memref<1x32x1024xf32, #tpu.memory_space<vmem>>
    %dma_wait3A_241 = tpu.memref_squeeze %dma_wait3A_240 : memref<1x32x1024xf32, #tpu.memory_space<vmem>> -> memref<32x1024xf32, #tpu.memory_space<vmem>>
    %dma_wait3A_242 = arith.constant 0 : i32
    %dma_wait3A_243 = tpu.memref_slice %arg4[%add3A_236, %dma_wait3A_242] : memref<16384x1024xf32, #tpu.memory_space<hbm>> -> memref<32x1024xf32, #tpu.memory_space<hbm>>
    %dma_wait3A_244 = arith.constant 0 : i32
    %dma_wait3A_245 = tpu.memref_slice %arg4[%add3A_236, %dma_wait3A_244] : memref<16384x1024xf32, #tpu.memory_space<hbm>> -> memref<32x1024xf32, #tpu.memory_space<hbm>>
    %dma_wait3A_246 = arith.constant 0 : i32
    %dma_wait3A_247 = arith.constant 0 : i32
    %dma_wait3A_248 = tpu.memref_slice %arg6[%dma_wait3A_237, %dma_wait3A_246, %dma_wait3A_247] : memref<3x32x1024xf32, #tpu.memory_space<vmem>> -> memref<1x32x1024xf32, #tpu.memory_space<vmem>>
    %dma_wait3A_249 = tpu.memref_squeeze %dma_wait3A_248 : memref<1x32x1024xf32, #tpu.memory_space<vmem>> -> memref<32x1024xf32, #tpu.memory_space<vmem>>
    tpu.wait_dma2 semaphore(%arg11 : memref<!tpu.dma_semaphore, #tpu.memory_space<semaphore_mem>>) src(%dma_wait3A_249 : memref<32x1024xf32, #tpu.memory_space<vmem>>) dst(%dma_wait3A_245 : memref<32x1024xf32, #tpu.memory_space<hbm>>)
    %dma_start3A_250 = arith.constant 0 : i32
    %dma_start3A_251 = arith.constant 0 : i32
    %dma_start3A_252 = arith.constant 0 : i32
    %dma_start3A_253 = tpu.memref_slice %arg6[%dma_start3A_250, %dma_start3A_251, %dma_start3A_252] : memref<3x32x1024xf32, #tpu.memory_space<vmem>> -> memref<1x32x1024xf32, #tpu.memory_space<vmem>>
    %dma_start3A_254 = tpu.memref_squeeze %dma_start3A_253 : memref<1x32x1024xf32, #tpu.memory_space<vmem>> -> memref<32x1024xf32, #tpu.memory_space<vmem>>
    %dma_start3A_255 = arith.constant 192 : i32
    %dma_start3A_256 = tpu.memref_slice %arg5[%dma_start3A_255] : memref<512xi32, #tpu.memory_space<vmem>> -> memref<32xi32, #tpu.memory_space<vmem>>
    %dma_start3A_257 = arith.constant 0 : i32
    %dma_start3A_258 = arith.constant 0 : i32
    %dma_start3A_259 = tpu.memref_slice %arg2[%dma_start3A_257, %dma_start3A_258] : memref<32000x1024xf32, #tpu.memory_space<hbm>> -> memref<32000x1024xf32, #tpu.memory_space<hbm>>
    tpu.enqueue_indirect_dma source(%dma_start3A_259 : memref<32000x1024xf32, #tpu.memory_space<hbm>>) target(%dma_start3A_254 : memref<32x1024xf32, #tpu.memory_space<vmem>>) offsets(%dma_start3A_256 : memref<32xi32, #tpu.memory_space<vmem>>) semaphore(%arg8 : memref<!tpu.dma_semaphore, #tpu.memory_space<semaphore_mem>>)
    %dma_wait3A_260 = arith.constant 2 : i32
    %dma_wait3A_261 = arith.constant 0 : i32
    %dma_wait3A_262 = arith.constant 0 : i32
    %dma_wait3A_263 = tpu.memref_slice %arg6[%dma_wait3A_260, %dma_wait3A_261, %dma_wait3A_262] : memref<3x32x1024xf32, #tpu.memory_space<vmem>> -> memref<1x32x1024xf32, #tpu.memory_space<vmem>>
    %dma_wait3A_264 = tpu.memref_squeeze %dma_wait3A_263 : memref<1x32x1024xf32, #tpu.memory_space<vmem>> -> memref<32x1024xf32, #tpu.memory_space<vmem>>
    %dma_wait3A_265 = arith.constant 160 : i32
    %dma_wait3A_266 = tpu.memref_slice %arg5[%dma_wait3A_265] : memref<512xi32, #tpu.memory_space<vmem>> -> memref<32xi32, #tpu.memory_space<vmem>>
    %dma_wait3A_267 = arith.constant 0 : i32
    %dma_wait3A_268 = arith.constant 0 : i32
    %dma_wait3A_269 = tpu.memref_slice %arg2[%dma_wait3A_267, %dma_wait3A_268] : memref<32000x1024xf32, #tpu.memory_space<hbm>> -> memref<32000x1024xf32, #tpu.memory_space<hbm>>
    tpu.wait_indirect_dma semaphore(%arg10 : memref<!tpu.dma_semaphore, #tpu.memory_space<semaphore_mem>>) src(%dma_wait3A_269 : memref<32000x1024xf32, #tpu.memory_space<hbm>>) dst(%dma_wait3A_264 : memref<32x1024xf32, #tpu.memory_space<vmem>>)
    %add3A_270 = arith.constant 160 : i32
    %add3A_271 = arith.addi %mul3A_2, %add3A_270 : i32
    %dma_start3A_272 = arith.constant 2 : i32
    %dma_start3A_273 = arith.constant 0 : i32
    %dma_start3A_274 = arith.constant 0 : i32
    %dma_start3A_275 = tpu.memref_slice %arg6[%dma_start3A_272, %dma_start3A_273, %dma_start3A_274] : memref<3x32x1024xf32, #tpu.memory_space<vmem>> -> memref<1x32x1024xf32, #tpu.memory_space<vmem>>
    %dma_start3A_276 = tpu.memref_squeeze %dma_start3A_275 : memref<1x32x1024xf32, #tpu.memory_space<vmem>> -> memref<32x1024xf32, #tpu.memory_space<vmem>>
    %dma_start3A_277 = arith.constant 0 : i32
    %dma_start3A_278 = tpu.memref_slice %arg4[%add3A_271, %dma_start3A_277] : memref<16384x1024xf32, #tpu.memory_space<hbm>> -> memref<32x1024xf32, #tpu.memory_space<hbm>>
    %dma_start3A_279 = arith.constant 0 : i32
    %dma_start3A_280 = tpu.memref_slice %arg4[%add3A_271, %dma_start3A_279] : memref<16384x1024xf32, #tpu.memory_space<hbm>> -> memref<32x1024xf32, #tpu.memory_space<hbm>>
    %dma_start3A_281 = arith.constant 0 : i32
    %dma_start3A_282 = arith.constant 0 : i32
    %dma_start3A_283 = tpu.memref_slice %arg6[%dma_start3A_272, %dma_start3A_281, %dma_start3A_282] : memref<3x32x1024xf32, #tpu.memory_space<vmem>> -> memref<1x32x1024xf32, #tpu.memory_space<vmem>>
    %dma_start3A_284 = tpu.memref_squeeze %dma_start3A_283 : memref<1x32x1024xf32, #tpu.memory_space<vmem>> -> memref<32x1024xf32, #tpu.memory_space<vmem>>
    tpu.enqueue_dma source(%dma_start3A_284 : memref<32x1024xf32, #tpu.memory_space<vmem>>) target(%dma_start3A_280 : memref<32x1024xf32, #tpu.memory_space<hbm>>) target_semaphore(%arg13 : memref<!tpu.dma_semaphore, #tpu.memory_space<semaphore_mem>>)
    %add3A_285 = arith.constant 128 : i32
    %add3A_286 = arith.addi %mul3A_2, %add3A_285 : i32
    %dma_wait3A_287 = arith.constant 1 : i32
    %dma_wait3A_288 = arith.constant 0 : i32
    %dma_wait3A_289 = arith.constant 0 : i32
    %dma_wait3A_290 = tpu.memref_slice %arg6[%dma_wait3A_287, %dma_wait3A_288, %dma_wait3A_289] : memref<3x32x1024xf32, #tpu.memory_space<vmem>> -> memref<1x32x1024xf32, #tpu.memory_space<vmem>>
    %dma_wait3A_291 = tpu.memref_squeeze %dma_wait3A_290 : memref<1x32x1024xf32, #tpu.memory_space<vmem>> -> memref<32x1024xf32, #tpu.memory_space<vmem>>
    %dma_wait3A_292 = arith.constant 0 : i32
    %dma_wait3A_293 = tpu.memref_slice %arg4[%add3A_286, %dma_wait3A_292] : memref<16384x1024xf32, #tpu.memory_space<hbm>> -> memref<32x1024xf32, #tpu.memory_space<hbm>>
    %dma_wait3A_294 = arith.constant 0 : i32
    %dma_wait3A_295 = tpu.memref_slice %arg4[%add3A_286, %dma_wait3A_294] : memref<16384x1024xf32, #tpu.memory_space<hbm>> -> memref<32x1024xf32, #tpu.memory_space<hbm>>
    %dma_wait3A_296 = arith.constant 0 : i32
    %dma_wait3A_297 = arith.constant 0 : i32
    %dma_wait3A_298 = tpu.memref_slice %arg6[%dma_wait3A_287, %dma_wait3A_296, %dma_wait3A_297] : memref<3x32x1024xf32, #tpu.memory_space<vmem>> -> memref<1x32x1024xf32, #tpu.memory_space<vmem>>
    %dma_wait3A_299 = tpu.memref_squeeze %dma_wait3A_298 : memref<1x32x1024xf32, #tpu.memory_space<vmem>> -> memref<32x1024xf32, #tpu.memory_space<vmem>>
    tpu.wait_dma2 semaphore(%arg12 : memref<!tpu.dma_semaphore, #tpu.memory_space<semaphore_mem>>) src(%dma_wait3A_299 : memref<32x1024xf32, #tpu.memory_space<vmem>>) dst(%dma_wait3A_295 : memref<32x1024xf32, #tpu.memory_space<hbm>>)
    %dma_start3A_300 = arith.constant 1 : i32
    %dma_start3A_301 = arith.constant 0 : i32
    %dma_start3A_302 = arith.constant 0 : i32
    %dma_start3A_303 = tpu.memref_slice %arg6[%dma_start3A_300, %dma_start3A_301, %dma_start3A_302] : memref<3x32x1024xf32, #tpu.memory_space<vmem>> -> memref<1x32x1024xf32, #tpu.memory_space<vmem>>
    %dma_start3A_304 = tpu.memref_squeeze %dma_start3A_303 : memref<1x32x1024xf32, #tpu.memory_space<vmem>> -> memref<32x1024xf32, #tpu.memory_space<vmem>>
    %dma_start3A_305 = arith.constant 224 : i32
    %dma_start3A_306 = tpu.memref_slice %arg5[%dma_start3A_305] : memref<512xi32, #tpu.memory_space<vmem>> -> memref<32xi32, #tpu.memory_space<vmem>>
    %dma_start3A_307 = arith.constant 0 : i32
    %dma_start3A_308 = arith.constant 0 : i32
    %dma_start3A_309 = tpu.memref_slice %arg2[%dma_start3A_307, %dma_start3A_308] : memref<32000x1024xf32, #tpu.memory_space<hbm>> -> memref<32000x1024xf32, #tpu.memory_space<hbm>>
    tpu.enqueue_indirect_dma source(%dma_start3A_309 : memref<32000x1024xf32, #tpu.memory_space<hbm>>) target(%dma_start3A_304 : memref<32x1024xf32, #tpu.memory_space<vmem>>) offsets(%dma_start3A_306 : memref<32xi32, #tpu.memory_space<vmem>>) semaphore(%arg9 : memref<!tpu.dma_semaphore, #tpu.memory_space<semaphore_mem>>)
    %dma_wait3A_310 = arith.constant 0 : i32
    %dma_wait3A_311 = arith.constant 0 : i32
    %dma_wait3A_312 = arith.constant 0 : i32
    %dma_wait3A_313 = tpu.memref_slice %arg6[%dma_wait3A_310, %dma_wait3A_311, %dma_wait3A_312] : memref<3x32x1024xf32, #tpu.memory_space<vmem>> -> memref<1x32x1024xf32, #tpu.memory_space<vmem>>
    %dma_wait3A_314 = tpu.memref_squeeze %dma_wait3A_313 : memref<1x32x1024xf32, #tpu.memory_space<vmem>> -> memref<32x1024xf32, #tpu.memory_space<vmem>>
    %dma_wait3A_315 = arith.constant 192 : i32
    %dma_wait3A_316 = tpu.memref_slice %arg5[%dma_wait3A_315] : memref<512xi32, #tpu.memory_space<vmem>> -> memref<32xi32, #tpu.memory_space<vmem>>
    %dma_wait3A_317 = arith.constant 0 : i32
    %dma_wait3A_318 = arith.constant 0 : i32
    %dma_wait3A_319 = tpu.memref_slice %arg2[%dma_wait3A_317, %dma_wait3A_318] : memref<32000x1024xf32, #tpu.memory_space<hbm>> -> memref<32000x1024xf32, #tpu.memory_space<hbm>>
    tpu.wait_indirect_dma semaphore(%arg8 : memref<!tpu.dma_semaphore, #tpu.memory_space<semaphore_mem>>) src(%dma_wait3A_319 : memref<32000x1024xf32, #tpu.memory_space<hbm>>) dst(%dma_wait3A_314 : memref<32x1024xf32, #tpu.memory_space<vmem>>)
    %add3A_320 = arith.constant 192 : i32
    %add3A_321 = arith.addi %mul3A_2, %add3A_320 : i32
    %dma_start3A_322 = arith.constant 0 : i32
    %dma_start3A_323 = arith.constant 0 : i32
    %dma_start3A_324 = arith.constant 0 : i32
    %dma_start3A_325 = tpu.memref_slice %arg6[%dma_start3A_322, %dma_start3A_323, %dma_start3A_324] : memref<3x32x1024xf32, #tpu.memory_space<vmem>> -> memref<1x32x1024xf32, #tpu.memory_space<vmem>>
    %dma_start3A_326 = tpu.memref_squeeze %dma_start3A_325 : memref<1x32x1024xf32, #tpu.memory_space<vmem>> -> memref<32x1024xf32, #tpu.memory_space<vmem>>
    %dma_start3A_327 = arith.constant 0 : i32
    %dma_start3A_328 = tpu.memref_slice %arg4[%add3A_321, %dma_start3A_327] : memref<16384x1024xf32, #tpu.memory_space<hbm>> -> memref<32x1024xf32, #tpu.memory_space<hbm>>
    %dma_start3A_329 = arith.constant 0 : i32
    %dma_start3A_330 = tpu.memref_slice %arg4[%add3A_321, %dma_start3A_329] : memref<16384x1024xf32, #tpu.memory_space<hbm>> -> memref<32x1024xf32, #tpu.memory_space<hbm>>
    %dma_start3A_331 = arith.constant 0 : i32
    %dma_start3A_332 = arith.constant 0 : i32
    %dma_start3A_333 = tpu.memref_slice %arg6[%dma_start3A_322, %dma_start3A_331, %dma_start3A_332] : memref<3x32x1024xf32, #tpu.memory_space<vmem>> -> memref<1x32x1024xf32, #tpu.memory_space<vmem>>
    %dma_start3A_334 = tpu.memref_squeeze %dma_start3A_333 : memref<1x32x1024xf32, #tpu.memory_space<vmem>> -> memref<32x1024xf32, #tpu.memory_space<vmem>>
    tpu.enqueue_dma source(%dma_start3A_334 : memref<32x1024xf32, #tpu.memory_space<vmem>>) target(%dma_start3A_330 : memref<32x1024xf32, #tpu.memory_space<hbm>>) target_semaphore(%arg11 : memref<!tpu.dma_semaphore, #tpu.memory_space<semaphore_mem>>)
    %add3A_335 = arith.constant 160 : i32
    %add3A_336 = arith.addi %mul3A_2, %add3A_335 : i32
    %dma_wait3A_337 = arith.constant 2 : i32
    %dma_wait3A_338 = arith.constant 0 : i32
    %dma_wait3A_339 = arith.constant 0 : i32
    %dma_wait3A_340 = tpu.memref_slice %arg6[%dma_wait3A_337, %dma_wait3A_338, %dma_wait3A_339] : memref<3x32x1024xf32, #tpu.memory_space<vmem>> -> memref<1x32x1024xf32, #tpu.memory_space<vmem>>
    %dma_wait3A_341 = tpu.memref_squeeze %dma_wait3A_340 : memref<1x32x1024xf32, #tpu.memory_space<vmem>> -> memref<32x1024xf32, #tpu.memory_space<vmem>>
    %dma_wait3A_342 = arith.constant 0 : i32
    %dma_wait3A_343 = tpu.memref_slice %arg4[%add3A_336, %dma_wait3A_342] : memref<16384x1024xf32, #tpu.memory_space<hbm>> -> memref<32x1024xf32, #tpu.memory_space<hbm>>
    %dma_wait3A_344 = arith.constant 0 : i32
    %dma_wait3A_345 = tpu.memref_slice %arg4[%add3A_336, %dma_wait3A_344] : memref<16384x1024xf32, #tpu.memory_space<hbm>> -> memref<32x1024xf32, #tpu.memory_space<hbm>>
    %dma_wait3A_346 = arith.constant 0 : i32
    %dma_wait3A_347 = arith.constant 0 : i32
    %dma_wait3A_348 = tpu.memref_slice %arg6[%dma_wait3A_337, %dma_wait3A_346, %dma_wait3A_347] : memref<3x32x1024xf32, #tpu.memory_space<vmem>> -> memref<1x32x1024xf32, #tpu.memory_space<vmem>>
    %dma_wait3A_349 = tpu.memref_squeeze %dma_wait3A_348 : memref<1x32x1024xf32, #tpu.memory_space<vmem>> -> memref<32x1024xf32, #tpu.memory_space<vmem>>
    tpu.wait_dma2 semaphore(%arg13 : memref<!tpu.dma_semaphore, #tpu.memory_space<semaphore_mem>>) src(%dma_wait3A_349 : memref<32x1024xf32, #tpu.memory_space<vmem>>) dst(%dma_wait3A_345 : memref<32x1024xf32, #tpu.memory_space<hbm>>)
    %dma_start3A_350 = arith.constant 2 : i32
    %dma_start3A_351 = arith.constant 0 : i32
    %dma_start3A_352 = arith.constant 0 : i32
    %dma_start3A_353 = tpu.memref_slice %arg6[%dma_start3A_350, %dma_start3A_351, %dma_start3A_352] : memref<3x32x1024xf32, #tpu.memory_space<vmem>> -> memref<1x32x1024xf32, #tpu.memory_space<vmem>>
    %dma_start3A_354 = tpu.memref_squeeze %dma_start3A_353 : memref<1x32x1024xf32, #tpu.memory_space<vmem>> -> memref<32x1024xf32, #tpu.memory_space<vmem>>
    %dma_start3A_355 = arith.constant 256 : i32
    %dma_start3A_356 = tpu.memref_slice %arg5[%dma_start3A_355] : memref<512xi32, #tpu.memory_space<vmem>> -> memref<32xi32, #tpu.memory_space<vmem>>
    %dma_start3A_357 = arith.constant 0 : i32
    %dma_start3A_358 = arith.constant 0 : i32
    %dma_start3A_359 = tpu.memref_slice %arg2[%dma_start3A_357, %dma_start3A_358] : memref<32000x1024xf32, #tpu.memory_space<hbm>> -> memref<32000x1024xf32, #tpu.memory_space<hbm>>
    tpu.enqueue_indirect_dma source(%dma_start3A_359 : memref<32000x1024xf32, #tpu.memory_space<hbm>>) target(%dma_start3A_354 : memref<32x1024xf32, #tpu.memory_space<vmem>>) offsets(%dma_start3A_356 : memref<32xi32, #tpu.memory_space<vmem>>) semaphore(%arg10 : memref<!tpu.dma_semaphore, #tpu.memory_space<semaphore_mem>>)
    %dma_wait3A_360 = arith.constant 1 : i32
    %dma_wait3A_361 = arith.constant 0 : i32
    %dma_wait3A_362 = arith.constant 0 : i32
    %dma_wait3A_363 = tpu.memref_slice %arg6[%dma_wait3A_360, %dma_wait3A_361, %dma_wait3A_362] : memref<3x32x1024xf32, #tpu.memory_space<vmem>> -> memref<1x32x1024xf32, #tpu.memory_space<vmem>>
    %dma_wait3A_364 = tpu.memref_squeeze %dma_wait3A_363 : memref<1x32x1024xf32, #tpu.memory_space<vmem>> -> memref<32x1024xf32, #tpu.memory_space<vmem>>
    %dma_wait3A_365 = arith.constant 224 : i32
    %dma_wait3A_366 = tpu.memref_slice %arg5[%dma_wait3A_365] : memref<512xi32, #tpu.memory_space<vmem>> -> memref<32xi32, #tpu.memory_space<vmem>>
    %dma_wait3A_367 = arith.constant 0 : i32
    %dma_wait3A_368 = arith.constant 0 : i32
    %dma_wait3A_369 = tpu.memref_slice %arg2[%dma_wait3A_367, %dma_wait3A_368] : memref<32000x1024xf32, #tpu.memory_space<hbm>> -> memref<32000x1024xf32, #tpu.memory_space<hbm>>
    tpu.wait_indirect_dma semaphore(%arg9 : memref<!tpu.dma_semaphore, #tpu.memory_space<semaphore_mem>>) src(%dma_wait3A_369 : memref<32000x1024xf32, #tpu.memory_space<hbm>>) dst(%dma_wait3A_364 : memref<32x1024xf32, #tpu.memory_space<vmem>>)
    %add3A_370 = arith.constant 224 : i32
    %add3A_371 = arith.addi %mul3A_2, %add3A_370 : i32
    %dma_start3A_372 = arith.constant 1 : i32
    %dma_start3A_373 = arith.constant 0 : i32
    %dma_start3A_374 = arith.constant 0 : i32
    %dma_start3A_375 = tpu.memref_slice %arg6[%dma_start3A_372, %dma_start3A_373, %dma_start3A_374] : memref<3x32x1024xf32, #tpu.memory_space<vmem>> -> memref<1x32x1024xf32, #tpu.memory_space<vmem>>
    %dma_start3A_376 = tpu.memref_squeeze %dma_start3A_375 : memref<1x32x1024xf32, #tpu.memory_space<vmem>> -> memref<32x1024xf32, #tpu.memory_space<vmem>>
    %dma_start3A_377 = arith.constant 0 : i32
    %dma_start3A_378 = tpu.memref_slice %arg4[%add3A_371, %dma_start3A_377] : memref<16384x1024xf32, #tpu.memory_space<hbm>> -> memref<32x1024xf32, #tpu.memory_space<hbm>>
    %dma_start3A_379 = arith.constant 0 : i32
    %dma_start3A_380 = tpu.memref_slice %arg4[%add3A_371, %dma_start3A_379] : memref<16384x1024xf32, #tpu.memory_space<hbm>> -> memref<32x1024xf32, #tpu.memory_space<hbm>>
    %dma_start3A_381 = arith.constant 0 : i32
    %dma_start3A_382 = arith.constant 0 : i32
    %dma_start3A_383 = tpu.memref_slice %arg6[%dma_start3A_372, %dma_start3A_381, %dma_start3A_382] : memref<3x32x1024xf32, #tpu.memory_space<vmem>> -> memref<1x32x1024xf32, #tpu.memory_space<vmem>>
    %dma_start3A_384 = tpu.memref_squeeze %dma_start3A_383 : memref<1x32x1024xf32, #tpu.memory_space<vmem>> -> memref<32x1024xf32, #tpu.memory_space<vmem>>
    tpu.enqueue_dma source(%dma_start3A_384 : memref<32x1024xf32, #tpu.memory_space<vmem>>) target(%dma_start3A_380 : memref<32x1024xf32, #tpu.memory_space<hbm>>) target_semaphore(%arg12 : memref<!tpu.dma_semaphore, #tpu.memory_space<semaphore_mem>>)
    %add3A_385 = arith.constant 192 : i32
    %add3A_386 = arith.addi %mul3A_2, %add3A_385 : i32
    %dma_wait3A_387 = arith.constant 0 : i32
    %dma_wait3A_388 = arith.constant 0 : i32
    %dma_wait3A_389 = arith.constant 0 : i32
    %dma_wait3A_390 = tpu.memref_slice %arg6[%dma_wait3A_387, %dma_wait3A_388, %dma_wait3A_389] : memref<3x32x1024xf32, #tpu.memory_space<vmem>> -> memref<1x32x1024xf32, #tpu.memory_space<vmem>>
    %dma_wait3A_391 = tpu.memref_squeeze %dma_wait3A_390 : memref<1x32x1024xf32, #tpu.memory_space<vmem>> -> memref<32x1024xf32, #tpu.memory_space<vmem>>
    %dma_wait3A_392 = arith.constant 0 : i32
    %dma_wait3A_393 = tpu.memref_slice %arg4[%add3A_386, %dma_wait3A_392] : memref<16384x1024xf32, #tpu.memory_space<hbm>> -> memref<32x1024xf32, #tpu.memory_space<hbm>>
    %dma_wait3A_394 = arith.constant 0 : i32
    %dma_wait3A_395 = tpu.memref_slice %arg4[%add3A_386, %dma_wait3A_394] : memref<16384x1024xf32, #tpu.memory_space<hbm>> -> memref<32x1024xf32, #tpu.memory_space<hbm>>
    %dma_wait3A_396 = arith.constant 0 : i32
    %dma_wait3A_397 = arith.constant 0 : i32
    %dma_wait3A_398 = tpu.memref_slice %arg6[%dma_wait3A_387, %dma_wait3A_396, %dma_wait3A_397] : memref<3x32x1024xf32, #tpu.memory_space<vmem>> -> memref<1x32x1024xf32, #tpu.memory_space<vmem>>
    %dma_wait3A_399 = tpu.memref_squeeze %dma_wait3A_398 : memref<1x32x1024xf32, #tpu.memory_space<vmem>> -> memref<32x1024xf32, #tpu.memory_space<vmem>>
    tpu.wait_dma2 semaphore(%arg11 : memref<!tpu.dma_semaphore, #tpu.memory_space<semaphore_mem>>) src(%dma_wait3A_399 : memref<32x1024xf32, #tpu.memory_space<vmem>>) dst(%dma_wait3A_395 : memref<32x1024xf32, #tpu.memory_space<hbm>>)
    %dma_start3A_400 = arith.constant 0 : i32
    %dma_start3A_401 = arith.constant 0 : i32
    %dma_start3A_402 = arith.constant 0 : i32
    %dma_start3A_403 = tpu.memref_slice %arg6[%dma_start3A_400, %dma_start3A_401, %dma_start3A_402] : memref<3x32x1024xf32, #tpu.memory_space<vmem>> -> memref<1x32x1024xf32, #tpu.memory_space<vmem>>
    %dma_start3A_404 = tpu.memref_squeeze %dma_start3A_403 : memref<1x32x1024xf32, #tpu.memory_space<vmem>> -> memref<32x1024xf32, #tpu.memory_space<vmem>>
    %dma_start3A_405 = arith.constant 288 : i32
    %dma_start3A_406 = tpu.memref_slice %arg5[%dma_start3A_405] : memref<512xi32, #tpu.memory_space<vmem>> -> memref<32xi32, #tpu.memory_space<vmem>>
    %dma_start3A_407 = arith.constant 0 : i32
    %dma_start3A_408 = arith.constant 0 : i32
    %dma_start3A_409 = tpu.memref_slice %arg2[%dma_start3A_407, %dma_start3A_408] : memref<32000x1024xf32, #tpu.memory_space<hbm>> -> memref<32000x1024xf32, #tpu.memory_space<hbm>>
    tpu.enqueue_indirect_dma source(%dma_start3A_409 : memref<32000x1024xf32, #tpu.memory_space<hbm>>) target(%dma_start3A_404 : memref<32x1024xf32, #tpu.memory_space<vmem>>) offsets(%dma_start3A_406 : memref<32xi32, #tpu.memory_space<vmem>>) semaphore(%arg8 : memref<!tpu.dma_semaphore, #tpu.memory_space<semaphore_mem>>)
    %dma_wait3A_410 = arith.constant 2 : i32
    %dma_wait3A_411 = arith.constant 0 : i32
    %dma_wait3A_412 = arith.constant 0 : i32
    %dma_wait3A_413 = tpu.memref_slice %arg6[%dma_wait3A_410, %dma_wait3A_411, %dma_wait3A_412] : memref<3x32x1024xf32, #tpu.memory_space<vmem>> -> memref<1x32x1024xf32, #tpu.memory_space<vmem>>
    %dma_wait3A_414 = tpu.memref_squeeze %dma_wait3A_413 : memref<1x32x1024xf32, #tpu.memory_space<vmem>> -> memref<32x1024xf32, #tpu.memory_space<vmem>>
    %dma_wait3A_415 = arith.constant 256 : i32
    %dma_wait3A_416 = tpu.memref_slice %arg5[%dma_wait3A_415] : memref<512xi32, #tpu.memory_space<vmem>> -> memref<32xi32, #tpu.memory_space<vmem>>
    %dma_wait3A_417 = arith.constant 0 : i32
    %dma_wait3A_418 = arith.constant 0 : i32
    %dma_wait3A_419 = tpu.memref_slice %arg2[%dma_wait3A_417, %dma_wait3A_418] : memref<32000x1024xf32, #tpu.memory_space<hbm>> -> memref<32000x1024xf32, #tpu.memory_space<hbm>>
    tpu.wait_indirect_dma semaphore(%arg10 : memref<!tpu.dma_semaphore, #tpu.memory_space<semaphore_mem>>) src(%dma_wait3A_419 : memref<32000x1024xf32, #tpu.memory_space<hbm>>) dst(%dma_wait3A_414 : memref<32x1024xf32, #tpu.memory_space<vmem>>)
    %add3A_420 = arith.constant 256 : i32
    %add3A_421 = arith.addi %mul3A_2, %add3A_420 : i32
    %dma_start3A_422 = arith.constant 2 : i32
    %dma_start3A_423 = arith.constant 0 : i32
    %dma_start3A_424 = arith.constant 0 : i32
    %dma_start3A_425 = tpu.memref_slice %arg6[%dma_start3A_422, %dma_start3A_423, %dma_start3A_424] : memref<3x32x1024xf32, #tpu.memory_space<vmem>> -> memref<1x32x1024xf32, #tpu.memory_space<vmem>>
    %dma_start3A_426 = tpu.memref_squeeze %dma_start3A_425 : memref<1x32x1024xf32, #tpu.memory_space<vmem>> -> memref<32x1024xf32, #tpu.memory_space<vmem>>
    %dma_start3A_427 = arith.constant 0 : i32
    %dma_start3A_428 = tpu.memref_slice %arg4[%add3A_421, %dma_start3A_427] : memref<16384x1024xf32, #tpu.memory_space<hbm>> -> memref<32x1024xf32, #tpu.memory_space<hbm>>
    %dma_start3A_429 = arith.constant 0 : i32
    %dma_start3A_430 = tpu.memref_slice %arg4[%add3A_421, %dma_start3A_429] : memref<16384x1024xf32, #tpu.memory_space<hbm>> -> memref<32x1024xf32, #tpu.memory_space<hbm>>
    %dma_start3A_431 = arith.constant 0 : i32
    %dma_start3A_432 = arith.constant 0 : i32
    %dma_start3A_433 = tpu.memref_slice %arg6[%dma_start3A_422, %dma_start3A_431, %dma_start3A_432] : memref<3x32x1024xf32, #tpu.memory_space<vmem>> -> memref<1x32x1024xf32, #tpu.memory_space<vmem>>
    %dma_start3A_434 = tpu.memref_squeeze %dma_start3A_433 : memref<1x32x1024xf32, #tpu.memory_space<vmem>> -> memref<32x1024xf32, #tpu.memory_space<vmem>>
    tpu.enqueue_dma source(%dma_start3A_434 : memref<32x1024xf32, #tpu.memory_space<vmem>>) target(%dma_start3A_430 : memref<32x1024xf32, #tpu.memory_space<hbm>>) target_semaphore(%arg13 : memref<!tpu.dma_semaphore, #tpu.memory_space<semaphore_mem>>)
    %add3A_435 = arith.constant 224 : i32
    %add3A_436 = arith.addi %mul3A_2, %add3A_435 : i32
    %dma_wait3A_437 = arith.constant 1 : i32
    %dma_wait3A_438 = arith.constant 0 : i32
    %dma_wait3A_439 = arith.constant 0 : i32
    %dma_wait3A_440 = tpu.memref_slice %arg6[%dma_wait3A_437, %dma_wait3A_438, %dma_wait3A_439] : memref<3x32x1024xf32, #tpu.memory_space<vmem>> -> memref<1x32x1024xf32, #tpu.memory_space<vmem>>
    %dma_wait3A_441 = tpu.memref_squeeze %dma_wait3A_440 : memref<1x32x1024xf32, #tpu.memory_space<vmem>> -> memref<32x1024xf32, #tpu.memory_space<vmem>>
    %dma_wait3A_442 = arith.constant 0 : i32
    %dma_wait3A_443 = tpu.memref_slice %arg4[%add3A_436, %dma_wait3A_442] : memref<16384x1024xf32, #tpu.memory_space<hbm>> -> memref<32x1024xf32, #tpu.memory_space<hbm>>
    %dma_wait3A_444 = arith.constant 0 : i32
    %dma_wait3A_445 = tpu.memref_slice %arg4[%add3A_436, %dma_wait3A_444] : memref<16384x1024xf32, #tpu.memory_space<hbm>> -> memref<32x1024xf32, #tpu.memory_space<hbm>>
    %dma_wait3A_446 = arith.constant 0 : i32
    %dma_wait3A_447 = arith.constant 0 : i32
    %dma_wait3A_448 = tpu.memref_slice %arg6[%dma_wait3A_437, %dma_wait3A_446, %dma_wait3A_447] : memref<3x32x1024xf32, #tpu.memory_space<vmem>> -> memref<1x32x1024xf32, #tpu.memory_space<vmem>>
    %dma_wait3A_449 = tpu.memref_squeeze %dma_wait3A_448 : memref<1x32x1024xf32, #tpu.memory_space<vmem>> -> memref<32x1024xf32, #tpu.memory_space<vmem>>
    tpu.wait_dma2 semaphore(%arg12 : memref<!tpu.dma_semaphore, #tpu.memory_space<semaphore_mem>>) src(%dma_wait3A_449 : memref<32x1024xf32, #tpu.memory_space<vmem>>) dst(%dma_wait3A_445 : memref<32x1024xf32, #tpu.memory_space<hbm>>)
    %dma_start3A_450 = arith.constant 1 : i32
    %dma_start3A_451 = arith.constant 0 : i32
    %dma_start3A_452 = arith.constant 0 : i32
    %dma_start3A_453 = tpu.memref_slice %arg6[%dma_start3A_450, %dma_start3A_451, %dma_start3A_452] : memref<3x32x1024xf32, #tpu.memory_space<vmem>> -> memref<1x32x1024xf32, #tpu.memory_space<vmem>>
    %dma_start3A_454 = tpu.memref_squeeze %dma_start3A_453 : memref<1x32x1024xf32, #tpu.memory_space<vmem>> -> memref<32x1024xf32, #tpu.memory_space<vmem>>
    %dma_start3A_455 = arith.constant 320 : i32
    %dma_start3A_456 = tpu.memref_slice %arg5[%dma_start3A_455] : memref<512xi32, #tpu.memory_space<vmem>> -> memref<32xi32, #tpu.memory_space<vmem>>
    %dma_start3A_457 = arith.constant 0 : i32
    %dma_start3A_458 = arith.constant 0 : i32
    %dma_start3A_459 = tpu.memref_slice %arg2[%dma_start3A_457, %dma_start3A_458] : memref<32000x1024xf32, #tpu.memory_space<hbm>> -> memref<32000x1024xf32, #tpu.memory_space<hbm>>
    tpu.enqueue_indirect_dma source(%dma_start3A_459 : memref<32000x1024xf32, #tpu.memory_space<hbm>>) target(%dma_start3A_454 : memref<32x1024xf32, #tpu.memory_space<vmem>>) offsets(%dma_start3A_456 : memref<32xi32, #tpu.memory_space<vmem>>) semaphore(%arg9 : memref<!tpu.dma_semaphore, #tpu.memory_space<semaphore_mem>>)
    %dma_wait3A_460 = arith.constant 0 : i32
    %dma_wait3A_461 = arith.constant 0 : i32
    %dma_wait3A_462 = arith.constant 0 : i32
    %dma_wait3A_463 = tpu.memref_slice %arg6[%dma_wait3A_460, %dma_wait3A_461, %dma_wait3A_462] : memref<3x32x1024xf32, #tpu.memory_space<vmem>> -> memref<1x32x1024xf32, #tpu.memory_space<vmem>>
    %dma_wait3A_464 = tpu.memref_squeeze %dma_wait3A_463 : memref<1x32x1024xf32, #tpu.memory_space<vmem>> -> memref<32x1024xf32, #tpu.memory_space<vmem>>
    %dma_wait3A_465 = arith.constant 288 : i32
    %dma_wait3A_466 = tpu.memref_slice %arg5[%dma_wait3A_465] : memref<512xi32, #tpu.memory_space<vmem>> -> memref<32xi32, #tpu.memory_space<vmem>>
    %dma_wait3A_467 = arith.constant 0 : i32
    %dma_wait3A_468 = arith.constant 0 : i32
    %dma_wait3A_469 = tpu.memref_slice %arg2[%dma_wait3A_467, %dma_wait3A_468] : memref<32000x1024xf32, #tpu.memory_space<hbm>> -> memref<32000x1024xf32, #tpu.memory_space<hbm>>
    tpu.wait_indirect_dma semaphore(%arg8 : memref<!tpu.dma_semaphore, #tpu.memory_space<semaphore_mem>>) src(%dma_wait3A_469 : memref<32000x1024xf32, #tpu.memory_space<hbm>>) dst(%dma_wait3A_464 : memref<32x1024xf32, #tpu.memory_space<vmem>>)
    %add3A_470 = arith.constant 288 : i32
    %add3A_471 = arith.addi %mul3A_2, %add3A_470 : i32
    %dma_start3A_472 = arith.constant 0 : i32
    %dma_start3A_473 = arith.constant 0 : i32
    %dma_start3A_474 = arith.constant 0 : i32
    %dma_start3A_475 = tpu.memref_slice %arg6[%dma_start3A_472, %dma_start3A_473, %dma_start3A_474] : memref<3x32x1024xf32, #tpu.memory_space<vmem>> -> memref<1x32x1024xf32, #tpu.memory_space<vmem>>
    %dma_start3A_476 = tpu.memref_squeeze %dma_start3A_475 : memref<1x32x1024xf32, #tpu.memory_space<vmem>> -> memref<32x1024xf32, #tpu.memory_space<vmem>>
    %dma_start3A_477 = arith.constant 0 : i32
    %dma_start3A_478 = tpu.memref_slice %arg4[%add3A_471, %dma_start3A_477] : memref<16384x1024xf32, #tpu.memory_space<hbm>> -> memref<32x1024xf32, #tpu.memory_space<hbm>>
    %dma_start3A_479 = arith.constant 0 : i32
    %dma_start3A_480 = tpu.memref_slice %arg4[%add3A_471, %dma_start3A_479] : memref<16384x1024xf32, #tpu.memory_space<hbm>> -> memref<32x1024xf32, #tpu.memory_space<hbm>>
    %dma_start3A_481 = arith.constant 0 : i32
    %dma_start3A_482 = arith.constant 0 : i32
    %dma_start3A_483 = tpu.memref_slice %arg6[%dma_start3A_472, %dma_start3A_481, %dma_start3A_482] : memref<3x32x1024xf32, #tpu.memory_space<vmem>> -> memref<1x32x1024xf32, #tpu.memory_space<vmem>>
    %dma_start3A_484 = tpu.memref_squeeze %dma_start3A_483 : memref<1x32x1024xf32, #tpu.memory_space<vmem>> -> memref<32x1024xf32, #tpu.memory_space<vmem>>
    tpu.enqueue_dma source(%dma_start3A_484 : memref<32x1024xf32, #tpu.memory_space<vmem>>) target(%dma_start3A_480 : memref<32x1024xf32, #tpu.memory_space<hbm>>) target_semaphore(%arg11 : memref<!tpu.dma_semaphore, #tpu.memory_space<semaphore_mem>>)
    %add3A_485 = arith.constant 256 : i32
    %add3A_486 = arith.addi %mul3A_2, %add3A_485 : i32
    %dma_wait3A_487 = arith.constant 2 : i32
    %dma_wait3A_488 = arith.constant 0 : i32
    %dma_wait3A_489 = arith.constant 0 : i32
    %dma_wait3A_490 = tpu.memref_slice %arg6[%dma_wait3A_487, %dma_wait3A_488, %dma_wait3A_489] : memref<3x32x1024xf32, #tpu.memory_space<vmem>> -> memref<1x32x1024xf32, #tpu.memory_space<vmem>>
    %dma_wait3A_491 = tpu.memref_squeeze %dma_wait3A_490 : memref<1x32x1024xf32, #tpu.memory_space<vmem>> -> memref<32x1024xf32, #tpu.memory_space<vmem>>
    %dma_wait3A_492 = arith.constant 0 : i32
    %dma_wait3A_493 = tpu.memref_slice %arg4[%add3A_486, %dma_wait3A_492] : memref<16384x1024xf32, #tpu.memory_space<hbm>> -> memref<32x1024xf32, #tpu.memory_space<hbm>>
    %dma_wait3A_494 = arith.constant 0 : i32
    %dma_wait3A_495 = tpu.memref_slice %arg4[%add3A_486, %dma_wait3A_494] : memref<16384x1024xf32, #tpu.memory_space<hbm>> -> memref<32x1024xf32, #tpu.memory_space<hbm>>
    %dma_wait3A_496 = arith.constant 0 : i32
    %dma_wait3A_497 = arith.constant 0 : i32
    %dma_wait3A_498 = tpu.memref_slice %arg6[%dma_wait3A_487, %dma_wait3A_496, %dma_wait3A_497] : memref<3x32x1024xf32, #tpu.memory_space<vmem>> -> memref<1x32x1024xf32, #tpu.memory_space<vmem>>
    %dma_wait3A_499 = tpu.memref_squeeze %dma_wait3A_498 : memref<1x32x1024xf32, #tpu.memory_space<vmem>> -> memref<32x1024xf32, #tpu.memory_space<vmem>>
    tpu.wait_dma2 semaphore(%arg13 : memref<!tpu.dma_semaphore, #tpu.memory_space<semaphore_mem>>) src(%dma_wait3A_499 : memref<32x1024xf32, #tpu.memory_space<vmem>>) dst(%dma_wait3A_495 : memref<32x1024xf32, #tpu.memory_space<hbm>>)
    %dma_start3A_500 = arith.constant 2 : i32
    %dma_start3A_501 = arith.constant 0 : i32
    %dma_start3A_502 = arith.constant 0 : i32
    %dma_start3A_503 = tpu.memref_slice %arg6[%dma_start3A_500, %dma_start3A_501, %dma_start3A_502] : memref<3x32x1024xf32, #tpu.memory_space<vmem>> -> memref<1x32x1024xf32, #tpu.memory_space<vmem>>
    %dma_start3A_504 = tpu.memref_squeeze %dma_start3A_503 : memref<1x32x1024xf32, #tpu.memory_space<vmem>> -> memref<32x1024xf32, #tpu.memory_space<vmem>>
    %dma_start3A_505 = arith.constant 352 : i32
    %dma_start3A_506 = tpu.memref_slice %arg5[%dma_start3A_505] : memref<512xi32, #tpu.memory_space<vmem>> -> memref<32xi32, #tpu.memory_space<vmem>>
    %dma_start3A_507 = arith.constant 0 : i32
    %dma_start3A_508 = arith.constant 0 : i32
    %dma_start3A_509 = tpu.memref_slice %arg2[%dma_start3A_507, %dma_start3A_508] : memref<32000x1024xf32, #tpu.memory_space<hbm>> -> memref<32000x1024xf32, #tpu.memory_space<hbm>>
    tpu.enqueue_indirect_dma source(%dma_start3A_509 : memref<32000x1024xf32, #tpu.memory_space<hbm>>) target(%dma_start3A_504 : memref<32x1024xf32, #tpu.memory_space<vmem>>) offsets(%dma_start3A_506 : memref<32xi32, #tpu.memory_space<vmem>>) semaphore(%arg10 : memref<!tpu.dma_semaphore, #tpu.memory_space<semaphore_mem>>)
    %dma_wait3A_510 = arith.constant 1 : i32
    %dma_wait3A_511 = arith.constant 0 : i32
    %dma_wait3A_512 = arith.constant 0 : i32
    %dma_wait3A_513 = tpu.memref_slice %arg6[%dma_wait3A_510, %dma_wait3A_511, %dma_wait3A_512] : memref<3x32x1024xf32, #tpu.memory_space<vmem>> -> memref<1x32x1024xf32, #tpu.memory_space<vmem>>
    %dma_wait3A_514 = tpu.memref_squeeze %dma_wait3A_513 : memref<1x32x1024xf32, #tpu.memory_space<vmem>> -> memref<32x1024xf32, #tpu.memory_space<vmem>>
    %dma_wait3A_515 = arith.constant 320 : i32
    %dma_wait3A_516 = tpu.memref_slice %arg5[%dma_wait3A_515] : memref<512xi32, #tpu.memory_space<vmem>> -> memref<32xi32, #tpu.memory_space<vmem>>
    %dma_wait3A_517 = arith.constant 0 : i32
    %dma_wait3A_518 = arith.constant 0 : i32
    %dma_wait3A_519 = tpu.memref_slice %arg2[%dma_wait3A_517, %dma_wait3A_518] : memref<32000x1024xf32, #tpu.memory_space<hbm>> -> memref<32000x1024xf32, #tpu.memory_space<hbm>>
    tpu.wait_indirect_dma semaphore(%arg9 : memref<!tpu.dma_semaphore, #tpu.memory_space<semaphore_mem>>) src(%dma_wait3A_519 : memref<32000x1024xf32, #tpu.memory_space<hbm>>) dst(%dma_wait3A_514 : memref<32x1024xf32, #tpu.memory_space<vmem>>)
    %add3A_520 = arith.constant 320 : i32
    %add3A_521 = arith.addi %mul3A_2, %add3A_520 : i32
    %dma_start3A_522 = arith.constant 1 : i32
    %dma_start3A_523 = arith.constant 0 : i32
    %dma_start3A_524 = arith.constant 0 : i32
    %dma_start3A_525 = tpu.memref_slice %arg6[%dma_start3A_522, %dma_start3A_523, %dma_start3A_524] : memref<3x32x1024xf32, #tpu.memory_space<vmem>> -> memref<1x32x1024xf32, #tpu.memory_space<vmem>>
    %dma_start3A_526 = tpu.memref_squeeze %dma_start3A_525 : memref<1x32x1024xf32, #tpu.memory_space<vmem>> -> memref<32x1024xf32, #tpu.memory_space<vmem>>
    %dma_start3A_527 = arith.constant 0 : i32
    %dma_start3A_528 = tpu.memref_slice %arg4[%add3A_521, %dma_start3A_527] : memref<16384x1024xf32, #tpu.memory_space<hbm>> -> memref<32x1024xf32, #tpu.memory_space<hbm>>
    %dma_start3A_529 = arith.constant 0 : i32
    %dma_start3A_530 = tpu.memref_slice %arg4[%add3A_521, %dma_start3A_529] : memref<16384x1024xf32, #tpu.memory_space<hbm>> -> memref<32x1024xf32, #tpu.memory_space<hbm>>
    %dma_start3A_531 = arith.constant 0 : i32
    %dma_start3A_532 = arith.constant 0 : i32
    %dma_start3A_533 = tpu.memref_slice %arg6[%dma_start3A_522, %dma_start3A_531, %dma_start3A_532] : memref<3x32x1024xf32, #tpu.memory_space<vmem>> -> memref<1x32x1024xf32, #tpu.memory_space<vmem>>
    %dma_start3A_534 = tpu.memref_squeeze %dma_start3A_533 : memref<1x32x1024xf32, #tpu.memory_space<vmem>> -> memref<32x1024xf32, #tpu.memory_space<vmem>>
    tpu.enqueue_dma source(%dma_start3A_534 : memref<32x1024xf32, #tpu.memory_space<vmem>>) target(%dma_start3A_530 : memref<32x1024xf32, #tpu.memory_space<hbm>>) target_semaphore(%arg12 : memref<!tpu.dma_semaphore, #tpu.memory_space<semaphore_mem>>)
    %add3A_535 = arith.constant 288 : i32
    %add3A_536 = arith.addi %mul3A_2, %add3A_535 : i32
    %dma_wait3A_537 = arith.constant 0 : i32
    %dma_wait3A_538 = arith.constant 0 : i32
    %dma_wait3A_539 = arith.constant 0 : i32
    %dma_wait3A_540 = tpu.memref_slice %arg6[%dma_wait3A_537, %dma_wait3A_538, %dma_wait3A_539] : memref<3x32x1024xf32, #tpu.memory_space<vmem>> -> memref<1x32x1024xf32, #tpu.memory_space<vmem>>
    %dma_wait3A_541 = tpu.memref_squeeze %dma_wait3A_540 : memref<1x32x1024xf32, #tpu.memory_space<vmem>> -> memref<32x1024xf32, #tpu.memory_space<vmem>>
    %dma_wait3A_542 = arith.constant 0 : i32
    %dma_wait3A_543 = tpu.memref_slice %arg4[%add3A_536, %dma_wait3A_542] : memref<16384x1024xf32, #tpu.memory_space<hbm>> -> memref<32x1024xf32, #tpu.memory_space<hbm>>
    %dma_wait3A_544 = arith.constant 0 : i32
    %dma_wait3A_545 = tpu.memref_slice %arg4[%add3A_536, %dma_wait3A_544] : memref<16384x1024xf32, #tpu.memory_space<hbm>> -> memref<32x1024xf32, #tpu.memory_space<hbm>>
    %dma_wait3A_546 = arith.constant 0 : i32
    %dma_wait3A_547 = arith.constant 0 : i32
    %dma_wait3A_548 = tpu.memref_slice %arg6[%dma_wait3A_537, %dma_wait3A_546, %dma_wait3A_547] : memref<3x32x1024xf32, #tpu.memory_space<vmem>> -> memref<1x32x1024xf32, #tpu.memory_space<vmem>>
    %dma_wait3A_549 = tpu.memref_squeeze %dma_wait3A_548 : memref<1x32x1024xf32, #tpu.memory_space<vmem>> -> memref<32x1024xf32, #tpu.memory_space<vmem>>
    tpu.wait_dma2 semaphore(%arg11 : memref<!tpu.dma_semaphore, #tpu.memory_space<semaphore_mem>>) src(%dma_wait3A_549 : memref<32x1024xf32, #tpu.memory_space<vmem>>) dst(%dma_wait3A_545 : memref<32x1024xf32, #tpu.memory_space<hbm>>)
    %dma_start3A_550 = arith.constant 0 : i32
    %dma_start3A_551 = arith.constant 0 : i32
    %dma_start3A_552 = arith.constant 0 : i32
    %dma_start3A_553 = tpu.memref_slice %arg6[%dma_start3A_550, %dma_start3A_551, %dma_start3A_552] : memref<3x32x1024xf32, #tpu.memory_space<vmem>> -> memref<1x32x1024xf32, #tpu.memory_space<vmem>>
    %dma_start3A_554 = tpu.memref_squeeze %dma_start3A_553 : memref<1x32x1024xf32, #tpu.memory_space<vmem>> -> memref<32x1024xf32, #tpu.memory_space<vmem>>
    %dma_start3A_555 = arith.constant 384 : i32
    %dma_start3A_556 = tpu.memref_slice %arg5[%dma_start3A_555] : memref<512xi32, #tpu.memory_space<vmem>> -> memref<32xi32, #tpu.memory_space<vmem>>
    %dma_start3A_557 = arith.constant 0 : i32
    %dma_start3A_558 = arith.constant 0 : i32
    %dma_start3A_559 = tpu.memref_slice %arg2[%dma_start3A_557, %dma_start3A_558] : memref<32000x1024xf32, #tpu.memory_space<hbm>> -> memref<32000x1024xf32, #tpu.memory_space<hbm>>
    tpu.enqueue_indirect_dma source(%dma_start3A_559 : memref<32000x1024xf32, #tpu.memory_space<hbm>>) target(%dma_start3A_554 : memref<32x1024xf32, #tpu.memory_space<vmem>>) offsets(%dma_start3A_556 : memref<32xi32, #tpu.memory_space<vmem>>) semaphore(%arg8 : memref<!tpu.dma_semaphore, #tpu.memory_space<semaphore_mem>>)
    %dma_wait3A_560 = arith.constant 2 : i32
    %dma_wait3A_561 = arith.constant 0 : i32
    %dma_wait3A_562 = arith.constant 0 : i32
    %dma_wait3A_563 = tpu.memref_slice %arg6[%dma_wait3A_560, %dma_wait3A_561, %dma_wait3A_562] : memref<3x32x1024xf32, #tpu.memory_space<vmem>> -> memref<1x32x1024xf32, #tpu.memory_space<vmem>>
    %dma_wait3A_564 = tpu.memref_squeeze %dma_wait3A_563 : memref<1x32x1024xf32, #tpu.memory_space<vmem>> -> memref<32x1024xf32, #tpu.memory_space<vmem>>
    %dma_wait3A_565 = arith.constant 352 : i32
    %dma_wait3A_566 = tpu.memref_slice %arg5[%dma_wait3A_565] : memref<512xi32, #tpu.memory_space<vmem>> -> memref<32xi32, #tpu.memory_space<vmem>>
    %dma_wait3A_567 = arith.constant 0 : i32
    %dma_wait3A_568 = arith.constant 0 : i32
    %dma_wait3A_569 = tpu.memref_slice %arg2[%dma_wait3A_567, %dma_wait3A_568] : memref<32000x1024xf32, #tpu.memory_space<hbm>> -> memref<32000x1024xf32, #tpu.memory_space<hbm>>
    tpu.wait_indirect_dma semaphore(%arg10 : memref<!tpu.dma_semaphore, #tpu.memory_space<semaphore_mem>>) src(%dma_wait3A_569 : memref<32000x1024xf32, #tpu.memory_space<hbm>>) dst(%dma_wait3A_564 : memref<32x1024xf32, #tpu.memory_space<vmem>>)
    %add3A_570 = arith.constant 352 : i32
    %add3A_571 = arith.addi %mul3A_2, %add3A_570 : i32
    %dma_start3A_572 = arith.constant 2 : i32
    %dma_start3A_573 = arith.constant 0 : i32
    %dma_start3A_574 = arith.constant 0 : i32
    %dma_start3A_575 = tpu.memref_slice %arg6[%dma_start3A_572, %dma_start3A_573, %dma_start3A_574] : memref<3x32x1024xf32, #tpu.memory_space<vmem>> -> memref<1x32x1024xf32, #tpu.memory_space<vmem>>
    %dma_start3A_576 = tpu.memref_squeeze %dma_start3A_575 : memref<1x32x1024xf32, #tpu.memory_space<vmem>> -> memref<32x1024xf32, #tpu.memory_space<vmem>>
    %dma_start3A_577 = arith.constant 0 : i32
    %dma_start3A_578 = tpu.memref_slice %arg4[%add3A_571, %dma_start3A_577] : memref<16384x1024xf32, #tpu.memory_space<hbm>> -> memref<32x1024xf32, #tpu.memory_space<hbm>>
    %dma_start3A_579 = arith.constant 0 : i32
    %dma_start3A_580 = tpu.memref_slice %arg4[%add3A_571, %dma_start3A_579] : memref<16384x1024xf32, #tpu.memory_space<hbm>> -> memref<32x1024xf32, #tpu.memory_space<hbm>>
    %dma_start3A_581 = arith.constant 0 : i32
    %dma_start3A_582 = arith.constant 0 : i32
    %dma_start3A_583 = tpu.memref_slice %arg6[%dma_start3A_572, %dma_start3A_581, %dma_start3A_582] : memref<3x32x1024xf32, #tpu.memory_space<vmem>> -> memref<1x32x1024xf32, #tpu.memory_space<vmem>>
    %dma_start3A_584 = tpu.memref_squeeze %dma_start3A_583 : memref<1x32x1024xf32, #tpu.memory_space<vmem>> -> memref<32x1024xf32, #tpu.memory_space<vmem>>
    tpu.enqueue_dma source(%dma_start3A_584 : memref<32x1024xf32, #tpu.memory_space<vmem>>) target(%dma_start3A_580 : memref<32x1024xf32, #tpu.memory_space<hbm>>) target_semaphore(%arg13 : memref<!tpu.dma_semaphore, #tpu.memory_space<semaphore_mem>>)
    %add3A_585 = arith.constant 320 : i32
    %add3A_586 = arith.addi %mul3A_2, %add3A_585 : i32
    %dma_wait3A_587 = arith.constant 1 : i32
    %dma_wait3A_588 = arith.constant 0 : i32
    %dma_wait3A_589 = arith.constant 0 : i32
    %dma_wait3A_590 = tpu.memref_slice %arg6[%dma_wait3A_587, %dma_wait3A_588, %dma_wait3A_589] : memref<3x32x1024xf32, #tpu.memory_space<vmem>> -> memref<1x32x1024xf32, #tpu.memory_space<vmem>>
    %dma_wait3A_591 = tpu.memref_squeeze %dma_wait3A_590 : memref<1x32x1024xf32, #tpu.memory_space<vmem>> -> memref<32x1024xf32, #tpu.memory_space<vmem>>
    %dma_wait3A_592 = arith.constant 0 : i32
    %dma_wait3A_593 = tpu.memref_slice %arg4[%add3A_586, %dma_wait3A_592] : memref<16384x1024xf32, #tpu.memory_space<hbm>> -> memref<32x1024xf32, #tpu.memory_space<hbm>>
    %dma_wait3A_594 = arith.constant 0 : i32
    %dma_wait3A_595 = tpu.memref_slice %arg4[%add3A_586, %dma_wait3A_594] : memref<16384x1024xf32, #tpu.memory_space<hbm>> -> memref<32x1024xf32, #tpu.memory_space<hbm>>
    %dma_wait3A_596 = arith.constant 0 : i32
    %dma_wait3A_597 = arith.constant 0 : i32
    %dma_wait3A_598 = tpu.memref_slice %arg6[%dma_wait3A_587, %dma_wait3A_596, %dma_wait3A_597] : memref<3x32x1024xf32, #tpu.memory_space<vmem>> -> memref<1x32x1024xf32, #tpu.memory_space<vmem>>
    %dma_wait3A_599 = tpu.memref_squeeze %dma_wait3A_598 : memref<1x32x1024xf32, #tpu.memory_space<vmem>> -> memref<32x1024xf32, #tpu.memory_space<vmem>>
    tpu.wait_dma2 semaphore(%arg12 : memref<!tpu.dma_semaphore, #tpu.memory_space<semaphore_mem>>) src(%dma_wait3A_599 : memref<32x1024xf32, #tpu.memory_space<vmem>>) dst(%dma_wait3A_595 : memref<32x1024xf32, #tpu.memory_space<hbm>>)
    %dma_start3A_600 = arith.constant 1 : i32
    %dma_start3A_601 = arith.constant 0 : i32
    %dma_start3A_602 = arith.constant 0 : i32
    %dma_start3A_603 = tpu.memref_slice %arg6[%dma_start3A_600, %dma_start3A_601, %dma_start3A_602] : memref<3x32x1024xf32, #tpu.memory_space<vmem>> -> memref<1x32x1024xf32, #tpu.memory_space<vmem>>
    %dma_start3A_604 = tpu.memref_squeeze %dma_start3A_603 : memref<1x32x1024xf32, #tpu.memory_space<vmem>> -> memref<32x1024xf32, #tpu.memory_space<vmem>>
    %dma_start3A_605 = arith.constant 416 : i32
    %dma_start3A_606 = tpu.memref_slice %arg5[%dma_start3A_605] : memref<512xi32, #tpu.memory_space<vmem>> -> memref<32xi32, #tpu.memory_space<vmem>>
    %dma_start3A_607 = arith.constant 0 : i32
    %dma_start3A_608 = arith.constant 0 : i32
    %dma_start3A_609 = tpu.memref_slice %arg2[%dma_start3A_607, %dma_start3A_608] : memref<32000x1024xf32, #tpu.memory_space<hbm>> -> memref<32000x1024xf32, #tpu.memory_space<hbm>>
    tpu.enqueue_indirect_dma source(%dma_start3A_609 : memref<32000x1024xf32, #tpu.memory_space<hbm>>) target(%dma_start3A_604 : memref<32x1024xf32, #tpu.memory_space<vmem>>) offsets(%dma_start3A_606 : memref<32xi32, #tpu.memory_space<vmem>>) semaphore(%arg9 : memref<!tpu.dma_semaphore, #tpu.memory_space<semaphore_mem>>)
    %dma_wait3A_610 = arith.constant 0 : i32
    %dma_wait3A_611 = arith.constant 0 : i32
    %dma_wait3A_612 = arith.constant 0 : i32
    %dma_wait3A_613 = tpu.memref_slice %arg6[%dma_wait3A_610, %dma_wait3A_611, %dma_wait3A_612] : memref<3x32x1024xf32, #tpu.memory_space<vmem>> -> memref<1x32x1024xf32, #tpu.memory_space<vmem>>
    %dma_wait3A_614 = tpu.memref_squeeze %dma_wait3A_613 : memref<1x32x1024xf32, #tpu.memory_space<vmem>> -> memref<32x1024xf32, #tpu.memory_space<vmem>>
    %dma_wait3A_615 = arith.constant 384 : i32
    %dma_wait3A_616 = tpu.memref_slice %arg5[%dma_wait3A_615] : memref<512xi32, #tpu.memory_space<vmem>> -> memref<32xi32, #tpu.memory_space<vmem>>
    %dma_wait3A_617 = arith.constant 0 : i32
    %dma_wait3A_618 = arith.constant 0 : i32
    %dma_wait3A_619 = tpu.memref_slice %arg2[%dma_wait3A_617, %dma_wait3A_618] : memref<32000x1024xf32, #tpu.memory_space<hbm>> -> memref<32000x1024xf32, #tpu.memory_space<hbm>>
    tpu.wait_indirect_dma semaphore(%arg8 : memref<!tpu.dma_semaphore, #tpu.memory_space<semaphore_mem>>) src(%dma_wait3A_619 : memref<32000x1024xf32, #tpu.memory_space<hbm>>) dst(%dma_wait3A_614 : memref<32x1024xf32, #tpu.memory_space<vmem>>)
    %add3A_620 = arith.constant 384 : i32
    %add3A_621 = arith.addi %mul3A_2, %add3A_620 : i32
    %dma_start3A_622 = arith.constant 0 : i32
    %dma_start3A_623 = arith.constant 0 : i32
    %dma_start3A_624 = arith.constant 0 : i32
    %dma_start3A_625 = tpu.memref_slice %arg6[%dma_start3A_622, %dma_start3A_623, %dma_start3A_624] : memref<3x32x1024xf32, #tpu.memory_space<vmem>> -> memref<1x32x1024xf32, #tpu.memory_space<vmem>>
    %dma_start3A_626 = tpu.memref_squeeze %dma_start3A_625 : memref<1x32x1024xf32, #tpu.memory_space<vmem>> -> memref<32x1024xf32, #tpu.memory_space<vmem>>
    %dma_start3A_627 = arith.constant 0 : i32
    %dma_start3A_628 = tpu.memref_slice %arg4[%add3A_621, %dma_start3A_627] : memref<16384x1024xf32, #tpu.memory_space<hbm>> -> memref<32x1024xf32, #tpu.memory_space<hbm>>
    %dma_start3A_629 = arith.constant 0 : i32
    %dma_start3A_630 = tpu.memref_slice %arg4[%add3A_621, %dma_start3A_629] : memref<16384x1024xf32, #tpu.memory_space<hbm>> -> memref<32x1024xf32, #tpu.memory_space<hbm>>
    %dma_start3A_631 = arith.constant 0 : i32
    %dma_start3A_632 = arith.constant 0 : i32
    %dma_start3A_633 = tpu.memref_slice %arg6[%dma_start3A_622, %dma_start3A_631, %dma_start3A_632] : memref<3x32x1024xf32, #tpu.memory_space<vmem>> -> memref<1x32x1024xf32, #tpu.memory_space<vmem>>
    %dma_start3A_634 = tpu.memref_squeeze %dma_start3A_633 : memref<1x32x1024xf32, #tpu.memory_space<vmem>> -> memref<32x1024xf32, #tpu.memory_space<vmem>>
    tpu.enqueue_dma source(%dma_start3A_634 : memref<32x1024xf32, #tpu.memory_space<vmem>>) target(%dma_start3A_630 : memref<32x1024xf32, #tpu.memory_space<hbm>>) target_semaphore(%arg11 : memref<!tpu.dma_semaphore, #tpu.memory_space<semaphore_mem>>)
    %add3A_635 = arith.constant 352 : i32
    %add3A_636 = arith.addi %mul3A_2, %add3A_635 : i32
    %dma_wait3A_637 = arith.constant 2 : i32
    %dma_wait3A_638 = arith.constant 0 : i32
    %dma_wait3A_639 = arith.constant 0 : i32
    %dma_wait3A_640 = tpu.memref_slice %arg6[%dma_wait3A_637, %dma_wait3A_638, %dma_wait3A_639] : memref<3x32x1024xf32, #tpu.memory_space<vmem>> -> memref<1x32x1024xf32, #tpu.memory_space<vmem>>
    %dma_wait3A_641 = tpu.memref_squeeze %dma_wait3A_640 : memref<1x32x1024xf32, #tpu.memory_space<vmem>> -> memref<32x1024xf32, #tpu.memory_space<vmem>>
    %dma_wait3A_642 = arith.constant 0 : i32
    %dma_wait3A_643 = tpu.memref_slice %arg4[%add3A_636, %dma_wait3A_642] : memref<16384x1024xf32, #tpu.memory_space<hbm>> -> memref<32x1024xf32, #tpu.memory_space<hbm>>
    %dma_wait3A_644 = arith.constant 0 : i32
    %dma_wait3A_645 = tpu.memref_slice %arg4[%add3A_636, %dma_wait3A_644] : memref<16384x1024xf32, #tpu.memory_space<hbm>> -> memref<32x1024xf32, #tpu.memory_space<hbm>>
    %dma_wait3A_646 = arith.constant 0 : i32
    %dma_wait3A_647 = arith.constant 0 : i32
    %dma_wait3A_648 = tpu.memref_slice %arg6[%dma_wait3A_637, %dma_wait3A_646, %dma_wait3A_647] : memref<3x32x1024xf32, #tpu.memory_space<vmem>> -> memref<1x32x1024xf32, #tpu.memory_space<vmem>>
    %dma_wait3A_649 = tpu.memref_squeeze %dma_wait3A_648 : memref<1x32x1024xf32, #tpu.memory_space<vmem>> -> memref<32x1024xf32, #tpu.memory_space<vmem>>
    tpu.wait_dma2 semaphore(%arg13 : memref<!tpu.dma_semaphore, #tpu.memory_space<semaphore_mem>>) src(%dma_wait3A_649 : memref<32x1024xf32, #tpu.memory_space<vmem>>) dst(%dma_wait3A_645 : memref<32x1024xf32, #tpu.memory_space<hbm>>)
    %dma_start3A_650 = arith.constant 2 : i32
    %dma_start3A_651 = arith.constant 0 : i32
    %dma_start3A_652 = arith.constant 0 : i32
    %dma_start3A_653 = tpu.memref_slice %arg6[%dma_start3A_650, %dma_start3A_651, %dma_start3A_652] : memref<3x32x1024xf32, #tpu.memory_space<vmem>> -> memref<1x32x1024xf32, #tpu.memory_space<vmem>>
    %dma_start3A_654 = tpu.memref_squeeze %dma_start3A_653 : memref<1x32x1024xf32, #tpu.memory_space<vmem>> -> memref<32x1024xf32, #tpu.memory_space<vmem>>
    %dma_start3A_655 = arith.constant 448 : i32
    %dma_start3A_656 = tpu.memref_slice %arg5[%dma_start3A_655] : memref<512xi32, #tpu.memory_space<vmem>> -> memref<32xi32, #tpu.memory_space<vmem>>
    %dma_start3A_657 = arith.constant 0 : i32
    %dma_start3A_658 = arith.constant 0 : i32
    %dma_start3A_659 = tpu.memref_slice %arg2[%dma_start3A_657, %dma_start3A_658] : memref<32000x1024xf32, #tpu.memory_space<hbm>> -> memref<32000x1024xf32, #tpu.memory_space<hbm>>
    tpu.enqueue_indirect_dma source(%dma_start3A_659 : memref<32000x1024xf32, #tpu.memory_space<hbm>>) target(%dma_start3A_654 : memref<32x1024xf32, #tpu.memory_space<vmem>>) offsets(%dma_start3A_656 : memref<32xi32, #tpu.memory_space<vmem>>) semaphore(%arg10 : memref<!tpu.dma_semaphore, #tpu.memory_space<semaphore_mem>>)
    %dma_wait3A_660 = arith.constant 1 : i32
    %dma_wait3A_661 = arith.constant 0 : i32
    %dma_wait3A_662 = arith.constant 0 : i32
    %dma_wait3A_663 = tpu.memref_slice %arg6[%dma_wait3A_660, %dma_wait3A_661, %dma_wait3A_662] : memref<3x32x1024xf32, #tpu.memory_space<vmem>> -> memref<1x32x1024xf32, #tpu.memory_space<vmem>>
    %dma_wait3A_664 = tpu.memref_squeeze %dma_wait3A_663 : memref<1x32x1024xf32, #tpu.memory_space<vmem>> -> memref<32x1024xf32, #tpu.memory_space<vmem>>
    %dma_wait3A_665 = arith.constant 416 : i32
    %dma_wait3A_666 = tpu.memref_slice %arg5[%dma_wait3A_665] : memref<512xi32, #tpu.memory_space<vmem>> -> memref<32xi32, #tpu.memory_space<vmem>>
    %dma_wait3A_667 = arith.constant 0 : i32
    %dma_wait3A_668 = arith.constant 0 : i32
    %dma_wait3A_669 = tpu.memref_slice %arg2[%dma_wait3A_667, %dma_wait3A_668] : memref<32000x1024xf32, #tpu.memory_space<hbm>> -> memref<32000x1024xf32, #tpu.memory_space<hbm>>
    tpu.wait_indirect_dma semaphore(%arg9 : memref<!tpu.dma_semaphore, #tpu.memory_space<semaphore_mem>>) src(%dma_wait3A_669 : memref<32000x1024xf32, #tpu.memory_space<hbm>>) dst(%dma_wait3A_664 : memref<32x1024xf32, #tpu.memory_space<vmem>>)
    %add3A_670 = arith.constant 416 : i32
    %add3A_671 = arith.addi %mul3A_2, %add3A_670 : i32
    %dma_start3A_672 = arith.constant 1 : i32
    %dma_start3A_673 = arith.constant 0 : i32
    %dma_start3A_674 = arith.constant 0 : i32
    %dma_start3A_675 = tpu.memref_slice %arg6[%dma_start3A_672, %dma_start3A_673, %dma_start3A_674] : memref<3x32x1024xf32, #tpu.memory_space<vmem>> -> memref<1x32x1024xf32, #tpu.memory_space<vmem>>
    %dma_start3A_676 = tpu.memref_squeeze %dma_start3A_675 : memref<1x32x1024xf32, #tpu.memory_space<vmem>> -> memref<32x1024xf32, #tpu.memory_space<vmem>>
    %dma_start3A_677 = arith.constant 0 : i32
    %dma_start3A_678 = tpu.memref_slice %arg4[%add3A_671, %dma_start3A_677] : memref<16384x1024xf32, #tpu.memory_space<hbm>> -> memref<32x1024xf32, #tpu.memory_space<hbm>>
    %dma_start3A_679 = arith.constant 0 : i32
    %dma_start3A_680 = tpu.memref_slice %arg4[%add3A_671, %dma_start3A_679] : memref<16384x1024xf32, #tpu.memory_space<hbm>> -> memref<32x1024xf32, #tpu.memory_space<hbm>>
    %dma_start3A_681 = arith.constant 0 : i32
    %dma_start3A_682 = arith.constant 0 : i32
    %dma_start3A_683 = tpu.memref_slice %arg6[%dma_start3A_672, %dma_start3A_681, %dma_start3A_682] : memref<3x32x1024xf32, #tpu.memory_space<vmem>> -> memref<1x32x1024xf32, #tpu.memory_space<vmem>>
    %dma_start3A_684 = tpu.memref_squeeze %dma_start3A_683 : memref<1x32x1024xf32, #tpu.memory_space<vmem>> -> memref<32x1024xf32, #tpu.memory_space<vmem>>
    tpu.enqueue_dma source(%dma_start3A_684 : memref<32x1024xf32, #tpu.memory_space<vmem>>) target(%dma_start3A_680 : memref<32x1024xf32, #tpu.memory_space<hbm>>) target_semaphore(%arg12 : memref<!tpu.dma_semaphore, #tpu.memory_space<semaphore_mem>>)
    %add3A_685 = arith.constant 384 : i32
    %add3A_686 = arith.addi %mul3A_2, %add3A_685 : i32
    %dma_wait3A_687 = arith.constant 0 : i32
    %dma_wait3A_688 = arith.constant 0 : i32
    %dma_wait3A_689 = arith.constant 0 : i32
    %dma_wait3A_690 = tpu.memref_slice %arg6[%dma_wait3A_687, %dma_wait3A_688, %dma_wait3A_689] : memref<3x32x1024xf32, #tpu.memory_space<vmem>> -> memref<1x32x1024xf32, #tpu.memory_space<vmem>>
    %dma_wait3A_691 = tpu.memref_squeeze %dma_wait3A_690 : memref<1x32x1024xf32, #tpu.memory_space<vmem>> -> memref<32x1024xf32, #tpu.memory_space<vmem>>
    %dma_wait3A_692 = arith.constant 0 : i32
    %dma_wait3A_693 = tpu.memref_slice %arg4[%add3A_686, %dma_wait3A_692] : memref<16384x1024xf32, #tpu.memory_space<hbm>> -> memref<32x1024xf32, #tpu.memory_space<hbm>>
    %dma_wait3A_694 = arith.constant 0 : i32
    %dma_wait3A_695 = tpu.memref_slice %arg4[%add3A_686, %dma_wait3A_694] : memref<16384x1024xf32, #tpu.memory_space<hbm>> -> memref<32x1024xf32, #tpu.memory_space<hbm>>
    %dma_wait3A_696 = arith.constant 0 : i32
    %dma_wait3A_697 = arith.constant 0 : i32
    %dma_wait3A_698 = tpu.memref_slice %arg6[%dma_wait3A_687, %dma_wait3A_696, %dma_wait3A_697] : memref<3x32x1024xf32, #tpu.memory_space<vmem>> -> memref<1x32x1024xf32, #tpu.memory_space<vmem>>
    %dma_wait3A_699 = tpu.memref_squeeze %dma_wait3A_698 : memref<1x32x1024xf32, #tpu.memory_space<vmem>> -> memref<32x1024xf32, #tpu.memory_space<vmem>>
    tpu.wait_dma2 semaphore(%arg11 : memref<!tpu.dma_semaphore, #tpu.memory_space<semaphore_mem>>) src(%dma_wait3A_699 : memref<32x1024xf32, #tpu.memory_space<vmem>>) dst(%dma_wait3A_695 : memref<32x1024xf32, #tpu.memory_space<hbm>>)
    %dma_start3A_700 = arith.constant 0 : i32
    %dma_start3A_701 = arith.constant 0 : i32
    %dma_start3A_702 = arith.constant 0 : i32
    %dma_start3A_703 = tpu.memref_slice %arg6[%dma_start3A_700, %dma_start3A_701, %dma_start3A_702] : memref<3x32x1024xf32, #tpu.memory_space<vmem>> -> memref<1x32x1024xf32, #tpu.memory_space<vmem>>
    %dma_start3A_704 = tpu.memref_squeeze %dma_start3A_703 : memref<1x32x1024xf32, #tpu.memory_space<vmem>> -> memref<32x1024xf32, #tpu.memory_space<vmem>>
    %dma_start3A_705 = arith.constant 480 : i32
    %dma_start3A_706 = tpu.memref_slice %arg5[%dma_start3A_705] : memref<512xi32, #tpu.memory_space<vmem>> -> memref<32xi32, #tpu.memory_space<vmem>>
    %dma_start3A_707 = arith.constant 0 : i32
    %dma_start3A_708 = arith.constant 0 : i32
    %dma_start3A_709 = tpu.memref_slice %arg2[%dma_start3A_707, %dma_start3A_708] : memref<32000x1024xf32, #tpu.memory_space<hbm>> -> memref<32000x1024xf32, #tpu.memory_space<hbm>>
    tpu.enqueue_indirect_dma source(%dma_start3A_709 : memref<32000x1024xf32, #tpu.memory_space<hbm>>) target(%dma_start3A_704 : memref<32x1024xf32, #tpu.memory_space<vmem>>) offsets(%dma_start3A_706 : memref<32xi32, #tpu.memory_space<vmem>>) semaphore(%arg8 : memref<!tpu.dma_semaphore, #tpu.memory_space<semaphore_mem>>)
    %dma_wait3A_710 = arith.constant 2 : i32
    %dma_wait3A_711 = arith.constant 0 : i32
    %dma_wait3A_712 = arith.constant 0 : i32
    %dma_wait3A_713 = tpu.memref_slice %arg6[%dma_wait3A_710, %dma_wait3A_711, %dma_wait3A_712] : memref<3x32x1024xf32, #tpu.memory_space<vmem>> -> memref<1x32x1024xf32, #tpu.memory_space<vmem>>
    %dma_wait3A_714 = tpu.memref_squeeze %dma_wait3A_713 : memref<1x32x1024xf32, #tpu.memory_space<vmem>> -> memref<32x1024xf32, #tpu.memory_space<vmem>>
    %dma_wait3A_715 = arith.constant 448 : i32
    %dma_wait3A_716 = tpu.memref_slice %arg5[%dma_wait3A_715] : memref<512xi32, #tpu.memory_space<vmem>> -> memref<32xi32, #tpu.memory_space<vmem>>
    %dma_wait3A_717 = arith.constant 0 : i32
    %dma_wait3A_718 = arith.constant 0 : i32
    %dma_wait3A_719 = tpu.memref_slice %arg2[%dma_wait3A_717, %dma_wait3A_718] : memref<32000x1024xf32, #tpu.memory_space<hbm>> -> memref<32000x1024xf32, #tpu.memory_space<hbm>>
    tpu.wait_indirect_dma semaphore(%arg10 : memref<!tpu.dma_semaphore, #tpu.memory_space<semaphore_mem>>) src(%dma_wait3A_719 : memref<32000x1024xf32, #tpu.memory_space<hbm>>) dst(%dma_wait3A_714 : memref<32x1024xf32, #tpu.memory_space<vmem>>)
    %add3A_720 = arith.constant 448 : i32
    %add3A_721 = arith.addi %mul3A_2, %add3A_720 : i32
    %dma_start3A_722 = arith.constant 2 : i32
    %dma_start3A_723 = arith.constant 0 : i32
    %dma_start3A_724 = arith.constant 0 : i32
    %dma_start3A_725 = tpu.memref_slice %arg6[%dma_start3A_722, %dma_start3A_723, %dma_start3A_724] : memref<3x32x1024xf32, #tpu.memory_space<vmem>> -> memref<1x32x1024xf32, #tpu.memory_space<vmem>>
    %dma_start3A_726 = tpu.memref_squeeze %dma_start3A_725 : memref<1x32x1024xf32, #tpu.memory_space<vmem>> -> memref<32x1024xf32, #tpu.memory_space<vmem>>
    %dma_start3A_727 = arith.constant 0 : i32
    %dma_start3A_728 = tpu.memref_slice %arg4[%add3A_721, %dma_start3A_727] : memref<16384x1024xf32, #tpu.memory_space<hbm>> -> memref<32x1024xf32, #tpu.memory_space<hbm>>
    %dma_start3A_729 = arith.constant 0 : i32
    %dma_start3A_730 = tpu.memref_slice %arg4[%add3A_721, %dma_start3A_729] : memref<16384x1024xf32, #tpu.memory_space<hbm>> -> memref<32x1024xf32, #tpu.memory_space<hbm>>
    %dma_start3A_731 = arith.constant 0 : i32
    %dma_start3A_732 = arith.constant 0 : i32
    %dma_start3A_733 = tpu.memref_slice %arg6[%dma_start3A_722, %dma_start3A_731, %dma_start3A_732] : memref<3x32x1024xf32, #tpu.memory_space<vmem>> -> memref<1x32x1024xf32, #tpu.memory_space<vmem>>
    %dma_start3A_734 = tpu.memref_squeeze %dma_start3A_733 : memref<1x32x1024xf32, #tpu.memory_space<vmem>> -> memref<32x1024xf32, #tpu.memory_space<vmem>>
    tpu.enqueue_dma source(%dma_start3A_734 : memref<32x1024xf32, #tpu.memory_space<vmem>>) target(%dma_start3A_730 : memref<32x1024xf32, #tpu.memory_space<hbm>>) target_semaphore(%arg13 : memref<!tpu.dma_semaphore, #tpu.memory_space<semaphore_mem>>)
    %add3A_735 = arith.constant 416 : i32
    %add3A_736 = arith.addi %mul3A_2, %add3A_735 : i32
    %dma_wait3A_737 = arith.constant 1 : i32
    %dma_wait3A_738 = arith.constant 0 : i32
    %dma_wait3A_739 = arith.constant 0 : i32
    %dma_wait3A_740 = tpu.memref_slice %arg6[%dma_wait3A_737, %dma_wait3A_738, %dma_wait3A_739] : memref<3x32x1024xf32, #tpu.memory_space<vmem>> -> memref<1x32x1024xf32, #tpu.memory_space<vmem>>
    %dma_wait3A_741 = tpu.memref_squeeze %dma_wait3A_740 : memref<1x32x1024xf32, #tpu.memory_space<vmem>> -> memref<32x1024xf32, #tpu.memory_space<vmem>>
    %dma_wait3A_742 = arith.constant 0 : i32
    %dma_wait3A_743 = tpu.memref_slice %arg4[%add3A_736, %dma_wait3A_742] : memref<16384x1024xf32, #tpu.memory_space<hbm>> -> memref<32x1024xf32, #tpu.memory_space<hbm>>
    %dma_wait3A_744 = arith.constant 0 : i32
    %dma_wait3A_745 = tpu.memref_slice %arg4[%add3A_736, %dma_wait3A_744] : memref<16384x1024xf32, #tpu.memory_space<hbm>> -> memref<32x1024xf32, #tpu.memory_space<hbm>>
    %dma_wait3A_746 = arith.constant 0 : i32
    %dma_wait3A_747 = arith.constant 0 : i32
    %dma_wait3A_748 = tpu.memref_slice %arg6[%dma_wait3A_737, %dma_wait3A_746, %dma_wait3A_747] : memref<3x32x1024xf32, #tpu.memory_space<vmem>> -> memref<1x32x1024xf32, #tpu.memory_space<vmem>>
    %dma_wait3A_749 = tpu.memref_squeeze %dma_wait3A_748 : memref<1x32x1024xf32, #tpu.memory_space<vmem>> -> memref<32x1024xf32, #tpu.memory_space<vmem>>
    tpu.wait_dma2 semaphore(%arg12 : memref<!tpu.dma_semaphore, #tpu.memory_space<semaphore_mem>>) src(%dma_wait3A_749 : memref<32x1024xf32, #tpu.memory_space<vmem>>) dst(%dma_wait3A_745 : memref<32x1024xf32, #tpu.memory_space<hbm>>)
    %add3A_750 = arith.constant 448 : i32
    %add3A_751 = arith.addi %mul3A_2, %add3A_750 : i32
    %dma_wait3A_752 = arith.constant 2 : i32
    %dma_wait3A_753 = arith.constant 0 : i32
    %dma_wait3A_754 = arith.constant 0 : i32
    %dma_wait3A_755 = tpu.memref_slice %arg6[%dma_wait3A_752, %dma_wait3A_753, %dma_wait3A_754] : memref<3x32x1024xf32, #tpu.memory_space<vmem>> -> memref<1x32x1024xf32, #tpu.memory_space<vmem>>
    %dma_wait3A_756 = tpu.memref_squeeze %dma_wait3A_755 : memref<1x32x1024xf32, #tpu.memory_space<vmem>> -> memref<32x1024xf32, #tpu.memory_space<vmem>>
    %dma_wait3A_757 = arith.constant 0 : i32
    %dma_wait3A_758 = tpu.memref_slice %arg4[%add3A_751, %dma_wait3A_757] : memref<16384x1024xf32, #tpu.memory_space<hbm>> -> memref<32x1024xf32, #tpu.memory_space<hbm>>
    %dma_wait3A_759 = arith.constant 0 : i32
    %dma_wait3A_760 = tpu.memref_slice %arg4[%add3A_751, %dma_wait3A_759] : memref<16384x1024xf32, #tpu.memory_space<hbm>> -> memref<32x1024xf32, #tpu.memory_space<hbm>>
    %dma_wait3A_761 = arith.constant 0 : i32
    %dma_wait3A_762 = arith.constant 0 : i32
    %dma_wait3A_763 = tpu.memref_slice %arg6[%dma_wait3A_752, %dma_wait3A_761, %dma_wait3A_762] : memref<3x32x1024xf32, #tpu.memory_space<vmem>> -> memref<1x32x1024xf32, #tpu.memory_space<vmem>>
    %dma_wait3A_764 = tpu.memref_squeeze %dma_wait3A_763 : memref<1x32x1024xf32, #tpu.memory_space<vmem>> -> memref<32x1024xf32, #tpu.memory_space<vmem>>
    tpu.wait_dma2 semaphore(%arg13 : memref<!tpu.dma_semaphore, #tpu.memory_space<semaphore_mem>>) src(%dma_wait3A_764 : memref<32x1024xf32, #tpu.memory_space<vmem>>) dst(%dma_wait3A_760 : memref<32x1024xf32, #tpu.memory_space<hbm>>)
    %dma_wait3A_765 = arith.constant 0 : i32
    %dma_wait3A_766 = arith.constant 0 : i32
    %dma_wait3A_767 = arith.constant 0 : i32
    %dma_wait3A_768 = tpu.memref_slice %arg6[%dma_wait3A_765, %dma_wait3A_766, %dma_wait3A_767] : memref<3x32x1024xf32, #tpu.memory_space<vmem>> -> memref<1x32x1024xf32, #tpu.memory_space<vmem>>
    %dma_wait3A_769 = tpu.memref_squeeze %dma_wait3A_768 : memref<1x32x1024xf32, #tpu.memory_space<vmem>> -> memref<32x1024xf32, #tpu.memory_space<vmem>>
    %dma_wait3A_770 = arith.constant 480 : i32
    %dma_wait3A_771 = tpu.memref_slice %arg5[%dma_wait3A_770] : memref<512xi32, #tpu.memory_space<vmem>> -> memref<32xi32, #tpu.memory_space<vmem>>
    %dma_wait3A_772 = arith.constant 0 : i32
    %dma_wait3A_773 = arith.constant 0 : i32
    %dma_wait3A_774 = tpu.memref_slice %arg2[%dma_wait3A_772, %dma_wait3A_773] : memref<32000x1024xf32, #tpu.memory_space<hbm>> -> memref<32000x1024xf32, #tpu.memory_space<hbm>>
    tpu.wait_indirect_dma semaphore(%arg8 : memref<!tpu.dma_semaphore, #tpu.memory_space<semaphore_mem>>) src(%dma_wait3A_774 : memref<32000x1024xf32, #tpu.memory_space<hbm>>) dst(%dma_wait3A_769 : memref<32x1024xf32, #tpu.memory_space<vmem>>)
    %add3A_775 = arith.constant 480 : i32
    %add3A_776 = arith.addi %mul3A_2, %add3A_775 : i32
    %dma_start3A_777 = arith.constant 0 : i32
    %dma_start3A_778 = arith.constant 0 : i32
    %dma_start3A_779 = arith.constant 0 : i32
    %dma_start3A_780 = tpu.memref_slice %arg6[%dma_start3A_777, %dma_start3A_778, %dma_start3A_779] : memref<3x32x1024xf32, #tpu.memory_space<vmem>> -> memref<1x32x1024xf32, #tpu.memory_space<vmem>>
    %dma_start3A_781 = tpu.memref_squeeze %dma_start3A_780 : memref<1x32x1024xf32, #tpu.memory_space<vmem>> -> memref<32x1024xf32, #tpu.memory_space<vmem>>
    %dma_start3A_782 = arith.constant 0 : i32
    %dma_start3A_783 = tpu.memref_slice %arg4[%add3A_776, %dma_start3A_782] : memref<16384x1024xf32, #tpu.memory_space<hbm>> -> memref<32x1024xf32, #tpu.memory_space<hbm>>
    %dma_start3A_784 = arith.constant 0 : i32
    %dma_start3A_785 = tpu.memref_slice %arg4[%add3A_776, %dma_start3A_784] : memref<16384x1024xf32, #tpu.memory_space<hbm>> -> memref<32x1024xf32, #tpu.memory_space<hbm>>
    %dma_start3A_786 = arith.constant 0 : i32
    %dma_start3A_787 = arith.constant 0 : i32
    %dma_start3A_788 = tpu.memref_slice %arg6[%dma_start3A_777, %dma_start3A_786, %dma_start3A_787] : memref<3x32x1024xf32, #tpu.memory_space<vmem>> -> memref<1x32x1024xf32, #tpu.memory_space<vmem>>
    %dma_start3A_789 = tpu.memref_squeeze %dma_start3A_788 : memref<1x32x1024xf32, #tpu.memory_space<vmem>> -> memref<32x1024xf32, #tpu.memory_space<vmem>>
    tpu.enqueue_dma source(%dma_start3A_789 : memref<32x1024xf32, #tpu.memory_space<vmem>>) target(%dma_start3A_785 : memref<32x1024xf32, #tpu.memory_space<hbm>>) target_semaphore(%arg11 : memref<!tpu.dma_semaphore, #tpu.memory_space<semaphore_mem>>)
    %add3A_790 = arith.constant 480 : i32
    %add3A_791 = arith.addi %mul3A_2, %add3A_790 : i32
    %dma_wait3A_792 = arith.constant 0 : i32
    %dma_wait3A_793 = arith.constant 0 : i32
    %dma_wait3A_794 = arith.constant 0 : i32
    %dma_wait3A_795 = tpu.memref_slice %arg6[%dma_wait3A_792, %dma_wait3A_793, %dma_wait3A_794] : memref<3x32x1024xf32, #tpu.memory_space<vmem>> -> memref<1x32x1024xf32, #tpu.memory_space<vmem>>
    %dma_wait3A_796 = tpu.memref_squeeze %dma_wait3A_795 : memref<1x32x1024xf32, #tpu.memory_space<vmem>> -> memref<32x1024xf32, #tpu.memory_space<vmem>>
    %dma_wait3A_797 = arith.constant 0 : i32
    %dma_wait3A_798 = tpu.memref_slice %arg4[%add3A_791, %dma_wait3A_797] : memref<16384x1024xf32, #tpu.memory_space<hbm>> -> memref<32x1024xf32, #tpu.memory_space<hbm>>
    %dma_wait3A_799 = arith.constant 0 : i32
    %dma_wait3A_800 = tpu.memref_slice %arg4[%add3A_791, %dma_wait3A_799] : memref<16384x1024xf32, #tpu.memory_space<hbm>> -> memref<32x1024xf32, #tpu.memory_space<hbm>>
    %dma_wait3A_801 = arith.constant 0 : i32
    %dma_wait3A_802 = arith.constant 0 : i32
    %dma_wait3A_803 = tpu.memref_slice %arg6[%dma_wait3A_792, %dma_wait3A_801, %dma_wait3A_802] : memref<3x32x1024xf32, #tpu.memory_space<vmem>> -> memref<1x32x1024xf32, #tpu.memory_space<vmem>>
    %dma_wait3A_804 = tpu.memref_squeeze %dma_wait3A_803 : memref<1x32x1024xf32, #tpu.memory_space<vmem>> -> memref<32x1024xf32, #tpu.memory_space<vmem>>
    tpu.wait_dma2 semaphore(%arg11 : memref<!tpu.dma_semaphore, #tpu.memory_space<semaphore_mem>>) src(%dma_wait3A_804 : memref<32x1024xf32, #tpu.memory_space<vmem>>) dst(%dma_wait3A_800 : memref<32x1024xf32, #tpu.memory_space<hbm>>)
    return
  }
}

module attributes {stable_mosaic.version = 14 : i64} {
  func.func @_mm_body(%arg0: i32, %arg1: memref<1024x1024xf32, #tpu.memory_space<vmem>>, %arg2: memref<1024x2048xf32, #tpu.memory_space<vmem>>, %arg3: memref<1x2048xf32, #tpu.memory_space<vmem>>, %arg4: memref<1024x2048xf32, #tpu.memory_space<vmem>>) attributes {dimension_semantics = [#tpu.dimension_semantics<arbitrary>], iteration_bounds = array<i64: 16>, scalar_prefetch = 0 : i64, scratch_operands = 0 : i64, tpu.core_type = #tpu.core_type<tc>, window_params = [{transform_indices = @transform_0, window_bounds = array<i64: 1024, 1024>}, {pipeline_mode = #tpu.pipeline_mode<synchronous>, transform_indices = @transform_1, window_bounds = array<i64: 1024, 2048>}, {pipeline_mode = #tpu.pipeline_mode<synchronous>, transform_indices = @transform_2, window_bounds = array<i64: 1, 2048>}, {transform_indices = @transform_3, window_bounds = array<i64: 1024, 2048>}]} {
    %get3A = arith.constant 0 : index
    %get3A_0 = arith.constant 0 : index
    %get3A_1 = vector.load %arg1[%get3A, %get3A_0] : memref<1024x1024xf32, #tpu.memory_space<vmem>>, vector<1024x1024xf32>
    %get3A_2 = arith.constant 0 : index
    %get3A_3 = arith.constant 0 : index
    %get3A_4 = vector.load %arg2[%get3A_2, %get3A_3] : memref<1024x2048xf32, #tpu.memory_space<vmem>>, vector<1024x2048xf32>
    %dot_general3A = arith.constant dense<0.000000e+00> : vector<1024x2048xf32>
    %dot_general3A_5 = tpu.matmul %get3A_1, %get3A_4, %dot_general3A {dimension_numbers = #tpu.dot_dimension_numbers<[1], [0], [0], [1], [0, 0, 1, 1], [], []>, transpose_lhs_hint = false} : vector<1024x1024xf32>, vector<1024x2048xf32>, vector<1024x2048xf32> -> vector<1024x2048xf32>
    %get3A_6 = arith.constant 0 : index
    %get3A_7 = arith.constant 0 : index
    %get3A_8 = vector.load %arg3[%get3A_6, %get3A_7] : memref<1x2048xf32, #tpu.memory_space<vmem>>, vector<1x2048xf32>
    %add3A = vector.broadcast %get3A_8 : vector<1x2048xf32> to vector<1024x2048xf32>
    %add3A_9 = arith.addf %dot_general3A_5, %add3A : vector<1024x2048xf32>
    %swap3A = arith.constant 0 : index
    %swap3A_10 = arith.constant 0 : index
    %swap3A_11 = vector.load %arg4[%swap3A, %swap3A_10] : memref<1024x2048xf32, #tpu.memory_space<vmem>>, vector<1024x2048xf32>
    tpu.vector_store %arg4[%swap3A, %swap3A_10], %add3A_9 {strides = array<i32>} : memref<1024x2048xf32, #tpu.memory_space<vmem>>, vector<1024x2048xf32>,
    return
  }
  func.func @transform_0(%arg0: i32) -> (i32, i32) {
    %c0_i32 = arith.constant 0 : i32
    %c0_i32_0 = arith.constant 0 : i32
    return %arg0, %c0_i32 : i32, i32
  }
  func.func @transform_1(%arg0: i32) -> (i32, i32) {
    %c0_i32 = arith.constant 0 : i32
    %c0_i32_0 = arith.constant 0 : i32
    %c0_i32_1 = arith.constant 0 : i32
    return %c0_i32, %c0_i32_0 : i32, i32
  }
  func.func @transform_2(%arg0: i32) -> (i32, i32) {
    %c0_i32 = arith.constant 0 : i32
    %c0_i32_0 = arith.constant 0 : i32
    %c0_i32_1 = arith.constant 0 : i32
    return %c0_i32, %c0_i32_0 : i32, i32
  }
  func.func @transform_3(%arg0: i32) -> (i32, i32) {
    %c0_i32 = arith.constant 0 : i32
    %c0_i32_0 = arith.constant 0 : i32
    return %arg0, %c0_i32 : i32, i32
  }
}

</mosaic_0001>

<sc_bundles>
// kernel: kernel.4.cloned.1.call-start
scs
__scs_entry_jumppad:
0x0: {  	(pc) =	sbr.rel $0x88, $3  }
0x1: {  	(tag) =	ssettag $0x0;
	lr =	simm.s32 $0x1  }
0x2: {  	[smem:$0x3F9D] =	sst lr;
	_ =	strace $0xD0000000  }
0x3: {  	_ = 	snop  }
0x4: {  	_ = 	snop  }
0x5: {  	_ = 	snop  }
0x6: {  	_ = 	snop  }
0x7: {  	_ = 	snop  }
__scs_overlays_trampoline_lowered:
0x8: {  	[smem:$0x3FAC] =	sst s0  }
0x9: {  	[smem:$0x3FAD] =	sst s1  }
0xa: {  	[smem:$0x3FAE] =	sst s2  }
0xb: {  	[smem:$0x3FAF] =	sst s3  }
0xc: {  	[smem:$0x3FB0] =	sst s4  }
0xd: {  	[smem:$0x3FB1] =	sst s5  }
0xe: {  	[smem:$0x3FB2] =	sst s6  }
0xf: {  	[smem:$0x3FB3] =	sst s7  }
0x10: {  	[smem:$0x3FB4] =	sst s8  }
0x11: {  	[smem:$0x3FB5] =	sst s9;
	s0 =	simm.s32 @!p0 $0x0  }
0x12: {  	s1 =	sld [smem:$0x3F9B];
	s0 =	simm.s32 @p0 $0x1  }
0x13: {  	[smem:$0x3FB6] =	sst s0;
	s0 =	simm.s32 @!p1 $0x0  }
0x14: {  	s2 =	sld [smem:$0x3F9A];
	s0 =	simm.s32 @p1 $0x1  }
0x15: {  	[smem:$0x3FB7] =	sst s0;
	s0 =	simm.s32 @!p2 $0x0  }
0x16: {  	s3 =	sld [smem:$0x3FDB];
	s0 =	simm.s32 @p2 $0x1  }
0x17: {  	s4 =	simm.s32 $0x1BF5;
	[smem:$0x3FB9] =	sst s0  }
0x18: {  	s0 =	sld [smem:$0x3F9C];
	_ =	swait.ge [sflag:s4], $0x0  }
0x19: {  	s7 =	sld [smem:$0x3F9D]  }
0x1a: {  	s8 =	sadd.s32 $0xFFFFE003, lr  }
0x1b: {  	s9 =	sadd.s32 $0xFFFFFEF7, lr;
	s5 =	simm.s32 $0xFFFFFFFF;
	p2 =	slt.u32 s8, $0xFFFFF086  }
0x1c: {  	p1 =	slt.u32 s9, $0xF7A;
	s5 =	simm.s32 @!p2 $0x0  }
0x1d: {  	s5 =	simm.s32 @p1 $0x1;
	p0 =	seq.s32 s7, s2  }
0x1e: {  	s7 =	smul.u32 @!p0 $0xF7A, s2;
	p2 =	seq.s32 @!p0 s5, $0x0  }
0x1f: {  	s9 =	smul.u32 $0xF7A, s1;
	s8 =	simm.s32 @!p0 $0x1BF5;
	p2 =	por !p2, p0  }
0x20: {  	[sflag:s8] =	ssyncset.s32 @!p0 $0xFFFFF086;
	s6 =	sadd.s32 @!p0 s3, s7;
	s7 =	simm.s32 @!p0 $0x108  }
0x21: {  	s3 =	sadd.s32 s3, s9;
	s6 =	sadd.s32 @!p0 $0x88, s6;
	s7 =	simm.s32 @p2 $0x1082  }
0x22: {  	[simem:s7], [sflag:s8] =	dma.local @!p0 [hbm:s6], $0xF7A  }
0x23: {  	s9 =	sor.u32 $0xD0000000, s2;
	s6 =	simm.s32 $0x108;
	_ =	swait.ge @!p0 [sflag:s8], $0x0  }
0x24: {  	s3 =	sadd.s32 $0x88, s3;
	s6 =	simm.s32 @!p1 $0x1082;
	[sflag:s4] =	ssyncset.s32 $0xFFFFF086  }
0x25: {  	[simem:s6], [sflag:s4] =	dma.local [hbm:s3], $0xF7A  }
0x26: {  	[smem:$0x3F9D] =	sst s1;
	(tag) =	ssettag s2;
	_ =	strace s9  }
0x27: {  	s1 =	sld [smem:$0x3FAD]  }
0x28: {  	s2 =	sld [smem:$0x3FAE]  }
0x29: {  	s4 =	sld [smem:$0x3FB0]  }
0x2a: {  	p0 =	seq.s32 s5, $0x0;
	s5 =	sld [smem:$0x3FB1]  }
0x2b: {  	s6 =	sld [smem:$0x3FB2]  }
0x2c: {  	s7 =	sld [smem:$0x3FB3]  }
0x2d: {  	s3 =	simm.s32 $0x108;
	s8 =	sld [smem:$0x3FB4]  }
0x2e: {  	s3 =	simm.s32 @!p0 $0x1082;
	s9 =	sld [smem:$0x3FB5]  }
0x2f: {  	lr =	sadd.s32 s0, s3;
	s0 =	sld [smem:$0x3FAC]  }
0x30: {  	s3 =	sld [smem:$0x3FAF]  }
0x31: {  	[smem:$0x3FB8] =	sst s10  }
0x32: {  	s10 =	sld [smem:$0x3FB6];
	_ =	sdelay $0x3  }
0x33: {  	p0 =	seq.s32 s10, $0x1;
	s10 =	sld [smem:$0x3FB8];
	_ =	sdelay $0x3  }
0x34: {  	[smem:$0x3FB8] =	sst s10  }
0x35: {  	s10 =	sld [smem:$0x3FB7];
	_ =	sdelay $0x3  }
0x36: {  	p1 =	seq.s32 s10, $0x1;
	s10 =	sld [smem:$0x3FB8];
	_ =	sdelay $0x3  }
0x37: {  	[smem:$0x3FB8] =	sst s10  }
0x38: {  	s10 =	sld [smem:$0x3FB9]  }
0x39: {  	_ = 	snop;
	(pc) =	sbr.ind lr, $3  }
0x3a: {  	_ = 	snop  }
0x3b: {  	_ = 	snop  }
0x3c: {  	p2 =	seq.s32 s10, $0x1;
	s10 =	sld [smem:$0x3FB8]  }
0x3d: {  	_ =	shalt  }
0x3e: {  	_ =	shalt  }
0x3f: {  	_ =	shalt  }
0x40: {  	_ =	shalt  }
0x41: {  	_ =	shalt  }
0x42: {  	_ =	shalt  }
0x43: {  	_ =	shalt  }
0x44: {  	_ =	shalt  }
0x45: {  	_ =	shalt  }
0x46: {  	_ =	shalt  }
0x47: {  	_ =	shalt  }
0x48: {  	_ =	shalt  }
0x49: {  	_ =	shalt  }
0x4a: {  	_ =	shalt  }
0x4b: {  	_ =	shalt  }
0x4c: {  	_ =	shalt  }
0x4d: {  	_ =	shalt  }
0x4e: {  	_ =	shalt  }
0x4f: {  	_ =	shalt  }
0x50: {  	_ =	shalt  }
0x51: {  	_ =	shalt  }
0x52: {  	_ =	shalt  }
0x53: {  	_ =	shalt  }
0x54: {  	_ =	shalt  }
0x55: {  	_ =	shalt  }
0x56: {  	_ =	shalt  }
0x57: {  	_ =	shalt  }
0x58: {  	_ =	shalt  }
0x59: {  	_ =	shalt  }
0x5a: {  	_ =	shalt  }
0x5b: {  	_ =	shalt  }
0x5c: {  	_ =	shalt  }
0x5d: {  	_ =	shalt  }
0x5e: {  	_ =	shalt  }
0x5f: {  	_ =	shalt  }
0x60: {  	_ =	shalt  }
0x61: {  	_ =	shalt  }
0x62: {  	_ =	shalt  }
0x63: {  	_ =	shalt  }
0x64: {  	_ =	shalt  }
0x65: {  	_ =	shalt  }
0x66: {  	_ =	shalt  }
0x67: {  	_ =	shalt  }
0x68: {  	_ =	shalt  }
0x69: {  	_ =	shalt  }
0x6a: {  	_ =	shalt  }
0x6b: {  	_ =	shalt  }
0x6c: {  	_ =	shalt  }
0x6d: {  	_ =	shalt  }
0x6e: {  	_ =	shalt  }
0x6f: {  	_ =	shalt  }
0x70: {  	_ =	shalt  }
0x71: {  	_ =	shalt  }
0x72: {  	_ =	shalt  }
0x73: {  	_ =	shalt  }
0x74: {  	_ =	shalt  }
0x75: {  	_ =	shalt  }
0x76: {  	_ =	shalt  }
0x77: {  	_ =	shalt  }
0x78: {  	_ =	shalt  }
0x79: {  	_ =	shalt  }
0x7a: {  	_ =	shalt  }
0x7b: {  	_ =	shalt  }
0x7c: {  	_ =	shalt  }
0x7d: {  	_ =	shalt  }
0x7e: {  	_ =	shalt  }
0x7f: {  	_ =	shalt  }
0x80: {  	_ =	shalt  }
0x81: {  	_ =	shalt  }
0x82: {  	_ =	shalt  }
0x83: {  	_ =	shalt  }
0x84: {  	_ =	shalt  }
0x85: {  	_ =	shalt  }
0x86: {  	_ =	shalt  }
0x87: {  	_ =	shalt  }
.Lfunc_end0:
.L_simem_size_0:
called_computation_lowered:
.L_overlay_start_0:
0x88: {  	s2 =	sld [smem:$0x3FD9]  }
0x89: {  	s3 =	sld [smem:$0x3FFE];
	_ =	sdelay $0x1  }
0x8a: {  	s1 =	srdreg.scid  }
0x8b: {  	s0 =	sand.u32 $0x1, s1  }
0x8c: {  	s17 =	sshll.u32 s0, $0xA;
	s2 =	sadd.s32 s3, s2  }
0x8d: {  	s2 =	sadd.s32 s2, s17  }
0x8e: {  	[smem:$0x3FC4] =	sst s2  }
0x8f: {  	_ = 	snop  }
0x90: {  	s2 =	sld [smem:$0x3FC8]  }
0x91: {  	s18 =	sld [smem:$0x3FD0];
	(tm) =	ssettm $0x1  }
0x92: {  	s4 =	sld [smem:$0x3FFB];
	_ =	sdelay $0x3  }
0x93: {  	_ =	strace s4  }
0x94: {  	s4 =	sld [smem:$0x3FFC];
	_ =	sdelay $0x3  }
0x95: {  	_ =	strace s4  }
0x96: {  	s4 =	sld [smem:$0x3FFD];
	_ =	sdelay $0x3  }
0x97: {  	_ =	strace s4  }
0x98: {  	_ =	strace $0x8FFFFFFF  }
0x99: {  	s19 =	sld [smem:$0x3FDB];
	_ =	sdelay $0x1  }
0x9a: {  	s5 =	simm.s32 $_scs_section_size  }
0x9b: {  	s6 =	simm.s32 $_size__tile_overlayer_lowered;
	s7 =	simm.s32 $_tile_overlayer_lowered  }
0x9c: {  	s22 =	simm.s32 $0x1BFF;
	s21 =	sshll.u32 s7, $0x1;
	s4 =	sadd.s32 s5, s19  }
0x9d: {  	s8 =	simm.s32 $0x0;
	s20 =	sshll.u32 s6, $0x1;
	s6 =	sadd.s32 s21, s4  }
0x9e: {  	[timem:s8], [sflag:s22] =	dma.local [hbm:s6], s20  }
0x9f: {  	_ =	swait.ge [sflag:s22], s20  }
0xa0: {  	s5 =	ssub.s32 $0x0, s20;
	[sflag:s22] =	ssyncset.done $0x0  }
0xa1: {  	[sflag:s22] =	ssyncadd.s32 s5;
	_ =	sdelay $0x1  }
0xa2: {  	s23 =	simm.s32 $0x1B8B  }
0xa3: {  	_ =	swait.ge [sflag:s23], $0x1  }
0xa4: {  	[sflag:s23] =	ssyncset.done $0x0  }
0xa5: {  	s25 =	simm.s32 $0x1B8E;
	s24 =	sld [smem:$0x3FFE];
	[sflag:s23] =	ssyncadd.s32 $0xFFFFFFFF  }
0xa6: {  	s26 =	simm.s32 $execute0_lowered;
	[smem:$0x3FD2] =	sst s25  }
0xa7: {  	s6 =	sshll.u32 s26, $0x1;
	_ =	strace $0x80000046;
	[dreg:$0x1] =	wrdreg $0xFFFFFFFF  }
0xa8: {  	s28 =	simm.s32 $_size_execute0_lowered;
	s4 =	sadd.s32 s4, s6;
	[dreg:$0x0] =	wrdreg $0x0  }
0xa9: {  	s6 =	sshll.u32 s28, $0x1;
	[dreg:$0x2] =	wrdreg s4  }
0xaa: {  	[dreg:$0x3] =	wrdreg s6  }
0xab: {  	[dreg:$0x4] =	wrdreg $0xC0  }
0xac: {  	_ =	task [dreg:s8], $0x5FFFF  }
0xad: {  	[dreg:$0x1] =	wrdreg $0xFFFFFFFF  }
0xae: {  	[dreg:$0x0] =	wrdreg $0x60  }
0xaf: {  	[dreg:$0x2] =	wrdreg s2  }
0xb0: {  	[dreg:$0x3] =	wrdreg s18  }
0xb1: {  	[dreg:$0x4] =	wrdreg s24  }
0xb2: {  	[dreg:$0x5] =	wrdreg $0x9  }
0xb3: {  	_ =	task.clear_ibuf [dreg:s8], $0x6FFFF;
	_ =	strace $0x90000046  }
0xb4: {  	s29 =	simm.s32 $0x9;
	_ =	strace $0x80000048  }
0xb5: {  	_ =	swait.ge [sflag:s29], $0x1  }
0xb6: {  	[sflag:s29] =	ssyncadd.s32 $0xFFFFFFFF  }
0xb7: {  	_ =	strace $0x90000048  }
0xb8: {  	_ =	sfence  }
0xb9: {  	s30 =	sld [smem:$0x0];
	_ =	sdelay $0x2  }
0xba: {  	s31 =	sshll.u32 s1, $0xD;
	s1 =	sshrl.u32 s1, $0x2  }
0xbb: {  	s3 =	sand.u32 $0x4000, s31;
	s1 =	sadd.s32 s1, s30  }
0xbc: {  	s0 =	sor.u32 s3, s0;
	s1 =	sshll.u32 s1, $0x11  }
0xbd: {  	s0 =	sor.u32 s1, s0  }
0xbe: {  	s0 =	sadd.s32 $0x8F2B, s0  }
0xbf: {  	[sflag:s0] =	ssyncadd.remote.s32 $0x1  }
0xc0: {  	_ =	sfence.sel $0xFFFF  }
0xc1: {  	[dreg:$0x0] =	wrdreg $0xFFFFFFFF;
	(pc) =	sbr.abs _section_cstart, $3  }
0xc2: {  	[dreg:$0x1] =	wrdreg $0xFFFFFFFF  }
0xc3: {  	_ =	task.clear_ibuf [dreg:s8], $0x2FFFF;
	_ =	strace $0x9FFFFFFF  }
0xc4: {  	(tm) =	ssettm $0x7FFFFFFF  }
0xc5: {  	_ =	shalt  }
tec
execute0_lowered:
.L_overlay_start_1:
0x0: {  	(tag) =	ssettag $0x1  }
0x1: {  	s0 =	srdreg.scid  }
0x2: {  	s1 =	rddreg [dreg:$0x0];
	s3 =	stileid.u32;
	s0 =	sand.u32 $0x1, s0  }
0x3: {  	s2 =	rddreg [dreg:$0x1];
	s5 =	sshll.u32 s3, $0xA;
	s6 =	sshll.u32 s0, $0x9  }
0x4: {  	s4 =	rddreg [dreg:$0x2];
	s5 =	sor.u32 s6, s5  }
0x5: {  	s3 =	simm.s32 $0x0;
	s6 =	sshll.u32 s5, $0x7;
	s5 =	sshrl.u32 s5, $0x3  }
0x6: {  	[smem:$0x7FF] =	sst s3;
	s7 =	sadd.s32 s6, s4;
	s2 =	sadd.s32 s2, s5  }
0x7: {  	_ =	strace $0x80000047;
	[dreg:$0x4] =	wrdreg s2;
	s12 =	sadd.s32 $0x800, s7  }
0x8: {  	s13 =	sadd.s32 $0x1800, s7;
	[dreg:$0x5] =	wrdreg s12  }
0x9: {  	s14 =	sadd.s32 $0x2800, s7;
	[dreg:$0x6] =	wrdreg s13  }
0xa: {  	s15 =	sadd.s32 $0x3800, s7;
	[dreg:$0x7] =	wrdreg s14  }
0xb: {  	s16 =	sadd.s32 $0x4800, s7;
	[dreg:$0x8] =	wrdreg s15  }
0xc: {  	s8 =	simm.s32 $0x2;
	s17 =	sadd.s32 $0x5800, s7;
	[dreg:$0x9] =	wrdreg s16  }
0xd: {  	s28 =	simm.s32 $0x6;
	s18 =	sadd.s32 $0x6800, s7;
	[dreg:$0xa] =	wrdreg s17  }
0xe: {  	s29 =	simm.s32 $0x7;
	s19 =	sadd.s32 $0x7800, s7;
	[dreg:$0xb] =	wrdreg s18  }
0xf: {  	s0 =	ssub.s32 $0x2, s0;
	s20 =	sadd.s32 $0x8800, s7;
	[dreg:$0xc] =	wrdreg s19  }
0x10: {  	s23 =	sshrl.u32 s0, $0x1;
	s21 =	sadd.s32 $0x9800, s7;
	[dreg:$0xd] =	wrdreg s20  }
0x11: {  	s0 =	ssub.s32 s0, s23;
	s22 =	sadd.s32 $0xA800, s7;
	[dreg:$0xe] =	wrdreg s21  }
0x12: {  	s4 =	sadd.s32 $0x100, s1;
	s24 =	sadd.s32 $0xB800, s7;
	[dreg:$0xf] =	wrdreg s22  }
0x13: {  	s5 =	sadd.s32 $0x200, s1;
	s25 =	sadd.s32 $0xC800, s7;
	[dreg:$0x10] =	wrdreg s24  }
0x14: {  	s6 =	sadd.s32 $0x300, s1;
	s26 =	sadd.s32 $0xD800, s7;
	[dreg:$0x11] =	wrdreg s25  }
0x15: {  	v2 =	vlaneseq.u32;
	s30 =	sadd.s32 $0xE800, s7;
	s31 =	sadd.s32 $0xF800, s7;
	[dreg:$0x12] =	wrdreg s26  }
0x16: {  	vm0 =	vmmov $0xffff;
	v1 =	vshrl.u32 v2, $0x3;
	s7 =	smax.u32 s0, $0x1;
	s2 =	simm.s32 $0x5;
	[dreg:$0x13] =	wrdreg s30  }
0x17: {  	v0 =	vand.u32 $0x7, v2;
	v2 =	vor.u32 $0x8, v2;
	v1 =	vmul.u32 $0x8, v1;
	s0 =	simm.s32 $0x4;
	[dreg:$0x14] =	wrdreg s31;
	s14 =	simm.s32 $0x3  }
.LBB2_1:
0x18: {  	[dreg:$0x15] =	wrdreg s7  }
0x19: {  	s30 =	rddreg [dreg:$0x4];
	s18 =	simm.s32 $0x1  }
0x1a: {  	[tilespmem:s3], [sflag:$0x1] =	stream.linear.gather [hbm4b:s30+s3], $0x200, $0x38;
	[tilespmem:$0x18200] =	vst v63  }
0x1b: {  	_ =	swait.ge [sflag:s18], $0x200  }
0x1c: {  	[sflag:s18] =	ssyncset.done $0x0  }
0x1d: {  	[sflag:s18] =	ssyncadd.s32 $0xFFFFFE00  }
0x1e: {  	v3 =	vld [tilespmem:$0x0];
	_ =	sdelay $0x4  }
0x1f: {  	v4 =	vshll.u32 v3, $0x3  }
0x20: {  	v3 =	vand.u32 $0x7, v3;
	v4 =	vand.u32 $0xFFFFFFC0, v4  }
0x21: {  	v3 =	vor.u32 v3, v4  }
0x22: {  	v4 =	vperm.xlane v3, v0;
	_ =	sdelay $0x1  }
0x23: {  	v4 =	vadd.s32 v1, v4;
	_ =	sdelay $0x3  }
0x24: {  	s19 =	simm.s32 $0x200  }
0x25: {  	[tilespmem:s19], [sflag:$0x2] =	stream.indirect_vreg.gather [hbm4b:s1+s3], $0x80, v4, vm0, $0xb8;
	[tilespmem:$0x18200] =	vst v63  }
0x26: {  	s10 =	simm.s32 $0xA00;
	v3 =	vperm.xlane v3, v2  }
0x27: {  	[tilespmem:s10], [sflag:$0x2] =	stream.indirect_vreg.gather [hbm4b:s4+s3], $0x80, v4, vm0, $0xb8;
	[tilespmem:$0x18200] =	vst v63  }
0x28: {  	s20 =	simm.s32 $0x1200;
	v3 =	vadd.s32 v1, v3  }
0x29: {  	[tilespmem:s20], [sflag:$0x2] =	stream.indirect_vreg.gather [hbm4b:s5+s3], $0x80, v4, vm0, $0xb8;
	[tilespmem:$0x18200] =	vst v63  }
0x2a: {  	s21 =	simm.s32 $0x1A00  }
0x2b: {  	[tilespmem:s21], [sflag:$0x2] =	stream.indirect_vreg.gather [hbm4b:s6+s3], $0x80, v4, vm0, $0xb8;
	[tilespmem:$0x18200] =	vst v63  }
0x2c: {  	s22 =	simm.s32 $0x2200  }
0x2d: {  	[tilespmem:s22], [sflag:$0x2] =	stream.indirect_vreg.gather [hbm4b:s1+s3], $0x80, v3, vm0, $0xb8;
	[tilespmem:$0x18200] =	vst v63  }
0x2e: {  	s23 =	simm.s32 $0x2A00  }
0x2f: {  	[tilespmem:s23], [sflag:$0x2] =	stream.indirect_vreg.gather [hbm4b:s4+s3], $0x80, v3, vm0, $0xb8;
	[tilespmem:$0x18200] =	vst v63  }
0x30: {  	s24 =	simm.s32 $0x3200  }
0x31: {  	[tilespmem:s24], [sflag:$0x2] =	stream.indirect_vreg.gather [hbm4b:s5+s3], $0x80, v3, vm0, $0xb8;
	[tilespmem:$0x18200] =	vst v63  }
0x32: {  	s25 =	simm.s32 $0x3A00  }
0x33: {  	[tilespmem:s25], [sflag:$0x2] =	stream.indirect_vreg.gather [hbm4b:s6+s3], $0x80, v3, vm0, $0xb8;
	[tilespmem:$0x18200] =	vst v63  }
0x34: {  	v3 =	vld [tilespmem:$0x10];
	_ =	sdelay $0x4  }
0x35: {  	v33 =	vshll.u32 v3, $0x3  }
0x36: {  	v3 =	vand.u32 $0x7, v3;
	v4 =	vand.u32 $0xFFFFFFC0, v33  }
0x37: {  	v3 =	vor.u32 v3, v4  }
0x38: {  	v4 =	vperm.xlane v3, v0;
	_ =	sdelay $0x1  }
0x39: {  	v4 =	vadd.s32 v1, v4;
	_ =	sdelay $0x3  }
0x3a: {  	s26 =	simm.s32 $0x4200  }
0x3b: {  	[tilespmem:s26], [sflag:$0x2] =	stream.indirect_vreg.gather [hbm4b:s1+s3], $0x80, v4, vm0, $0xb8;
	[tilespmem:$0x18200] =	vst v63  }
0x3c: {  	s30 =	simm.s32 $0x4A00;
	v3 =	vperm.xlane v3, v2  }
0x3d: {  	[tilespmem:s30], [sflag:$0x2] =	stream.indirect_vreg.gather [hbm4b:s4+s3], $0x80, v4, vm0, $0xb8;
	[tilespmem:$0x18200] =	vst v63  }
0x3e: {  	s31 =	simm.s32 $0x5200;
	v3 =	vadd.s32 v1, v3  }
0x3f: {  	[tilespmem:s31], [sflag:$0x2] =	stream.indirect_vreg.gather [hbm4b:s5+s3], $0x80, v4, vm0, $0xb8;
	[tilespmem:$0x18200] =	vst v63  }
0x40: {  	s7 =	simm.s32 $0x5A00  }
0x41: {  	[tilespmem:s7], [sflag:$0x2] =	stream.indirect_vreg.gather [hbm4b:s6+s3], $0x80, v4, vm0, $0xb8;
	[tilespmem:$0x18200] =	vst v63  }
0x42: {  	s9 =	simm.s32 $0x6200  }
0x43: {  	[tilespmem:s9], [sflag:$0x2] =	stream.indirect_vreg.gather [hbm4b:s1+s3], $0x80, v3, vm0, $0xb8;
	[tilespmem:$0x18200] =	vst v63  }
0x44: {  	s11 =	simm.s32 $0x6A00  }
0x45: {  	[tilespmem:s11], [sflag:$0x2] =	stream.indirect_vreg.gather [hbm4b:s4+s3], $0x80, v3, vm0, $0xb8;
	[tilespmem:$0x18200] =	vst v63  }
0x46: {  	s12 =	simm.s32 $0x7200  }
0x47: {  	[tilespmem:s12], [sflag:$0x2] =	stream.indirect_vreg.gather [hbm4b:s5+s3], $0x80, v3, vm0, $0xb8;
	[tilespmem:$0x18200] =	vst v63  }
0x48: {  	s18 =	simm.s32 $0x7A00  }
0x49: {  	[tilespmem:s18], [sflag:$0x2] =	stream.indirect_vreg.gather [hbm4b:s6+s3], $0x80, v3, vm0, $0xb8;
	[tilespmem:$0x18200] =	vst v63  }
0x4a: {  	v3 =	vld [tilespmem:$0x20];
	_ =	sdelay $0x4  }
0x4b: {  	v34 =	vshll.u32 v3, $0x3  }
0x4c: {  	v3 =	vand.u32 $0x7, v3;
	v4 =	vand.u32 $0xFFFFFFC0, v34  }
0x4d: {  	v3 =	vor.u32 v3, v4  }
0x4e: {  	v4 =	vperm.xlane v3, v0;
	_ =	sdelay $0x1  }
0x4f: {  	v4 =	vadd.s32 v1, v4;
	_ =	sdelay $0x3  }
0x50: {  	s19 =	simm.s32 $0x8200  }
0x51: {  	[tilespmem:s19], [sflag:$0x3] =	stream.indirect_vreg.gather [hbm4b:s1+s3], $0x80, v4, vm0, $0xb8;
	[tilespmem:$0x18200] =	vst v63  }
0x52: {  	s20 =	simm.s32 $0x8A00;
	v3 =	vperm.xlane v3, v2  }
0x53: {  	[tilespmem:s20], [sflag:$0x3] =	stream.indirect_vreg.gather [hbm4b:s4+s3], $0x80, v4, vm0, $0xb8;
	[tilespmem:$0x18200] =	vst v63  }
0x54: {  	s21 =	simm.s32 $0x9200;
	v3 =	vadd.s32 v1, v3  }
0x55: {  	[tilespmem:s21], [sflag:$0x3] =	stream.indirect_vreg.gather [hbm4b:s5+s3], $0x80, v4, vm0, $0xb8;
	[tilespmem:$0x18200] =	vst v63  }
0x56: {  	s22 =	simm.s32 $0x9A00  }
0x57: {  	[tilespmem:s22], [sflag:$0x3] =	stream.indirect_vreg.gather [hbm4b:s6+s3], $0x80, v4, vm0, $0xb8;
	[tilespmem:$0x18200] =	vst v63  }
0x58: {  	s23 =	simm.s32 $0xA200  }
0x59: {  	[tilespmem:s23], [sflag:$0x3] =	stream.indirect_vreg.gather [hbm4b:s1+s3], $0x80, v3, vm0, $0xb8;
	[tilespmem:$0x18200] =	vst v63  }
0x5a: {  	s24 =	simm.s32 $0xAA00  }
0x5b: {  	[tilespmem:s24], [sflag:$0x3] =	stream.indirect_vreg.gather [hbm4b:s4+s3], $0x80, v3, vm0, $0xb8;
	[tilespmem:$0x18200] =	vst v63  }
0x5c: {  	s25 =	simm.s32 $0xB200  }
0x5d: {  	[tilespmem:s25], [sflag:$0x3] =	stream.indirect_vreg.gather [hbm4b:s5+s3], $0x80, v3, vm0, $0xb8;
	[tilespmem:$0x18200] =	vst v63  }
0x5e: {  	s26 =	simm.s32 $0xBA00  }
0x5f: {  	[tilespmem:s26], [sflag:$0x3] =	stream.indirect_vreg.gather [hbm4b:s6+s3], $0x80, v3, vm0, $0xb8;
	[tilespmem:$0x18200] =	vst v63  }
0x60: {  	v3 =	vld [tilespmem:$0x30];
	_ =	sdelay $0x4  }
0x61: {  	v35 =	vshll.u32 v3, $0x3  }
0x62: {  	v3 =	vand.u32 $0x7, v3;
	v4 =	vand.u32 $0xFFFFFFC0, v35  }
0x63: {  	v3 =	vor.u32 v3, v4  }
0x64: {  	v4 =	vperm.xlane v3, v0;
	_ =	sdelay $0x1  }
0x65: {  	v4 =	vadd.s32 v1, v4;
	_ =	sdelay $0x3  }
0x66: {  	s30 =	simm.s32 $0xC200  }
0x67: {  	[tilespmem:s30], [sflag:$0x3] =	stream.indirect_vreg.gather [hbm4b:s1+s3], $0x80, v4, vm0, $0xb8;
	[tilespmem:$0x18200] =	vst v63  }
0x68: {  	s31 =	simm.s32 $0xCA00;
	v3 =	vperm.xlane v3, v2  }
0x69: {  	[tilespmem:s31], [sflag:$0x3] =	stream.indirect_vreg.gather [hbm4b:s4+s3], $0x80, v4, vm0, $0xb8;
	[tilespmem:$0x18200] =	vst v63  }
0x6a: {  	s9 =	simm.s32 $0xD200;
	v3 =	vadd.s32 v1, v3  }
0x6b: {  	[tilespmem:s9], [sflag:$0x3] =	stream.indirect_vreg.gather [hbm4b:s5+s3], $0x80, v4, vm0, $0xb8;
	[tilespmem:$0x18200] =	vst v63  }
0x6c: {  	s11 =	simm.s32 $0xDA00  }
0x6d: {  	[tilespmem:s11], [sflag:$0x3] =	stream.indirect_vreg.gather [hbm4b:s6+s3], $0x80, v4, vm0, $0xb8;
	[tilespmem:$0x18200] =	vst v63  }
0x6e: {  	s12 =	simm.s32 $0xE200  }
0x6f: {  	[tilespmem:s12], [sflag:$0x3] =	stream.indirect_vreg.gather [hbm4b:s1+s3], $0x80, v3, vm0, $0xb8;
	[tilespmem:$0x18200] =	vst v63  }
0x70: {  	s18 =	simm.s32 $0xEA00  }
0x71: {  	[tilespmem:s18], [sflag:$0x3] =	stream.indirect_vreg.gather [hbm4b:s4+s3], $0x80, v3, vm0, $0xb8;
	[tilespmem:$0x18200] =	vst v63  }
0x72: {  	s19 =	simm.s32 $0xF200  }
0x73: {  	[tilespmem:s19], [sflag:$0x3] =	stream.indirect_vreg.gather [hbm4b:s5+s3], $0x80, v3, vm0, $0xb8;
	[tilespmem:$0x18200] =	vst v63  }
0x74: {  	s20 =	simm.s32 $0xFA00  }
0x75: {  	[tilespmem:s20], [sflag:$0x3] =	stream.indirect_vreg.gather [hbm4b:s6+s3], $0x80, v3, vm0, $0xb8;
	[tilespmem:$0x18200] =	vst v63  }
0x76: {  	_ =	swait.ge [sflag:s8], $0x8000  }
0x77: {  	[sflag:s8] =	ssyncset.done $0x0  }
0x78: {  	s9 =	simm.s32 $0x200;
	s24 =	rddreg [dreg:$0x5];
	[sflag:s8] =	ssyncadd.s32 $0xFFFF8000  }
0x79: {  	[hbm4b:s24+s3] =	stream.linear.scatter [tilespmem:s9], [sflag:$0x5], $0x8000, $0x38;
	[tilespmem:$0x18200] =	vst v63  }
0x7a: {  	v3 =	vld [tilespmem:$0x40];
	_ =	sdelay $0x4  }
0x7b: {  	v36 =	vshll.u32 v3, $0x3  }
0x7c: {  	v3 =	vand.u32 $0x7, v3;
	v4 =	vand.u32 $0xFFFFFFC0, v36  }
0x7d: {  	v3 =	vor.u32 v3, v4  }
0x7e: {  	v4 =	vperm.xlane v3, v0;
	_ =	sdelay $0x1  }
0x7f: {  	v4 =	vadd.s32 v1, v4;
	_ =	sdelay $0x3  }
0x80: {  	s12 =	simm.s32 $0x10200  }
0x81: {  	[tilespmem:s12], [sflag:$0x4] =	stream.indirect_vreg.gather [hbm4b:s1+s3], $0x80, v4, vm0, $0xb8;
	[tilespmem:$0x18200] =	vst v63  }
0x82: {  	s25 =	simm.s32 $0x10A00;
	v3 =	vperm.xlane v3, v2  }
0x83: {  	[tilespmem:s25], [sflag:$0x4] =	stream.indirect_vreg.gather [hbm4b:s4+s3], $0x80, v4, vm0, $0xb8;
	[tilespmem:$0x18200] =	vst v63  }
0x84: {  	s26 =	simm.s32 $0x11200;
	v3 =	vadd.s32 v1, v3  }
0x85: {  	[tilespmem:s26], [sflag:$0x4] =	stream.indirect_vreg.gather [hbm4b:s5+s3], $0x80, v4, vm0, $0xb8;
	[tilespmem:$0x18200] =	vst v63  }
0x86: {  	s30 =	simm.s32 $0x11A00  }
0x87: {  	[tilespmem:s30], [sflag:$0x4] =	stream.indirect_vreg.gather [hbm4b:s6+s3], $0x80, v4, vm0, $0xb8;
	[tilespmem:$0x18200] =	vst v63  }
0x88: {  	s31 =	simm.s32 $0x12200  }
0x89: {  	[tilespmem:s31], [sflag:$0x4] =	stream.indirect_vreg.gather [hbm4b:s1+s3], $0x80, v3, vm0, $0xb8;
	[tilespmem:$0x18200] =	vst v63  }
0x8a: {  	s7 =	simm.s32 $0x12A00  }
0x8b: {  	[tilespmem:s7], [sflag:$0x4] =	stream.indirect_vreg.gather [hbm4b:s4+s3], $0x80, v3, vm0, $0xb8;
	[tilespmem:$0x18200] =	vst v63  }
0x8c: {  	s11 =	simm.s32 $0x13200  }
0x8d: {  	[tilespmem:s11], [sflag:$0x4] =	stream.indirect_vreg.gather [hbm4b:s5+s3], $0x80, v3, vm0, $0xb8;
	[tilespmem:$0x18200] =	vst v63  }
0x8e: {  	s18 =	simm.s32 $0x13A00  }
0x8f: {  	[tilespmem:s18], [sflag:$0x4] =	stream.indirect_vreg.gather [hbm4b:s6+s3], $0x80, v3, vm0, $0xb8;
	[tilespmem:$0x18200] =	vst v63  }
0x90: {  	v3 =	vld [tilespmem:$0x50];
	_ =	sdelay $0x4  }
0x91: {  	v37 =	vshll.u32 v3, $0x3  }
0x92: {  	v3 =	vand.u32 $0x7, v3;
	v4 =	vand.u32 $0xFFFFFFC0, v37  }
0x93: {  	v3 =	vor.u32 v3, v4  }
0x94: {  	v4 =	vperm.xlane v3, v0;
	_ =	sdelay $0x1  }
0x95: {  	v4 =	vadd.s32 v1, v4;
	_ =	sdelay $0x3  }
0x96: {  	s19 =	simm.s32 $0x14200  }
0x97: {  	[tilespmem:s19], [sflag:$0x4] =	stream.indirect_vreg.gather [hbm4b:s1+s3], $0x80, v4, vm0, $0xb8;
	[tilespmem:$0x18200] =	vst v63  }
0x98: {  	s25 =	simm.s32 $0x14A00;
	v3 =	vperm.xlane v3, v2  }
0x99: {  	[tilespmem:s25], [sflag:$0x4] =	stream.indirect_vreg.gather [hbm4b:s4+s3], $0x80, v4, vm0, $0xb8;
	[tilespmem:$0x18200] =	vst v63  }
0x9a: {  	s30 =	simm.s32 $0x15200;
	v3 =	vadd.s32 v1, v3  }
0x9b: {  	[tilespmem:s30], [sflag:$0x4] =	stream.indirect_vreg.gather [hbm4b:s5+s3], $0x80, v4, vm0, $0xb8;
	[tilespmem:$0x18200] =	vst v63  }
0x9c: {  	s31 =	simm.s32 $0x15A00  }
0x9d: {  	[tilespmem:s31], [sflag:$0x4] =	stream.indirect_vreg.gather [hbm4b:s6+s3], $0x80, v4, vm0, $0xb8;
	[tilespmem:$0x18200] =	vst v63  }
0x9e: {  	s7 =	simm.s32 $0x16200  }
0x9f: {  	[tilespmem:s7], [sflag:$0x4] =	stream.indirect_vreg.gather [hbm4b:s1+s3], $0x80, v3, vm0, $0xb8;
	[tilespmem:$0x18200] =	vst v63  }
0xa0: {  	s11 =	simm.s32 $0x16A00  }
0xa1: {  	[tilespmem:s11], [sflag:$0x4] =	stream.indirect_vreg.gather [hbm4b:s4+s3], $0x80, v3, vm0, $0xb8;
	[tilespmem:$0x18200] =	vst v63  }
0xa2: {  	s18 =	simm.s32 $0x17200  }
0xa3: {  	[tilespmem:s18], [sflag:$0x4] =	stream.indirect_vreg.gather [hbm4b:s5+s3], $0x80, v3, vm0, $0xb8;
	[tilespmem:$0x18200] =	vst v63  }
0xa4: {  	s19 =	simm.s32 $0x17A00  }
0xa5: {  	[tilespmem:s19], [sflag:$0x4] =	stream.indirect_vreg.gather [hbm4b:s6+s3], $0x80, v3, vm0, $0xb8;
	[tilespmem:$0x18200] =	vst v63  }
0xa6: {  	_ =	swait.ge [sflag:s14], $0x8000  }
0xa7: {  	[sflag:s14] =	ssyncset.done $0x0  }
0xa8: {  	s7 =	simm.s32 $0x8200;
	s25 =	rddreg [dreg:$0x6];
	[sflag:s14] =	ssyncadd.s32 $0xFFFF8000  }
0xa9: {  	[hbm4b:s25+s3] =	stream.linear.scatter [tilespmem:s7], [sflag:$0x6], $0x8000, $0x38;
	[tilespmem:$0x18200] =	vst v63  }
0xaa: {  	_ =	swait.ge [sflag:s2], $0x8000  }
0xab: {  	[sflag:s2] =	ssyncset.done $0x0  }
0xac: {  	[sflag:s2] =	ssyncadd.s32 $0xFFFF8000  }
0xad: {  	v3 =	vld [tilespmem:$0x60];
	_ =	sdelay $0x4  }
0xae: {  	v38 =	vshll.u32 v3, $0x3  }
0xaf: {  	v3 =	vand.u32 $0x7, v3;
	v4 =	vand.u32 $0xFFFFFFC0, v38  }
0xb0: {  	v3 =	vor.u32 v3, v4  }
0xb1: {  	v4 =	vperm.xlane v3, v0;
	_ =	sdelay $0x1  }
0xb2: {  	v4 =	vadd.s32 v1, v4;
	_ =	sdelay $0x4  }
0xb3: {  	[tilespmem:s9], [sflag:$0x2] =	stream.indirect_vreg.gather [hbm4b:s1+s3], $0x80, v4, vm0, $0xb8;
	[tilespmem:$0x18200] =	vst v63  }
0xb4: {  	s13 =	simm.s32 $0xA00;
	v3 =	vperm.xlane v3, v2  }
0xb5: {  	[tilespmem:s13], [sflag:$0x2] =	stream.indirect_vreg.gather [hbm4b:s4+s3], $0x80, v4, vm0, $0xb8;
	[tilespmem:$0x18200] =	vst v63  }
0xb6: {  	s25 =	simm.s32 $0x1200;
	v3 =	vadd.s32 v1, v3  }
0xb7: {  	[tilespmem:s25], [sflag:$0x2] =	stream.indirect_vreg.gather [hbm4b:s5+s3], $0x80, v4, vm0, $0xb8;
	[tilespmem:$0x18200] =	vst v63  }
0xb8: {  	s11 =	simm.s32 $0x1A00  }
0xb9: {  	[tilespmem:s11], [sflag:$0x2] =	stream.indirect_vreg.gather [hbm4b:s6+s3], $0x80, v4, vm0, $0xb8;
	[tilespmem:$0x18200] =	vst v63  }
0xba: {  	s30 =	simm.s32 $0x2200  }
0xbb: {  	[tilespmem:s30], [sflag:$0x2] =	stream.indirect_vreg.gather [hbm4b:s1+s3], $0x80, v3, vm0, $0xb8;
	[tilespmem:$0x18200] =	vst v63  }
0xbc: {  	s31 =	simm.s32 $0x2A00  }
0xbd: {  	[tilespmem:s31], [sflag:$0x2] =	stream.indirect_vreg.gather [hbm4b:s4+s3], $0x80, v3, vm0, $0xb8;
	[tilespmem:$0x18200] =	vst v63  }
0xbe: {  	s12 =	simm.s32 $0x3200  }
0xbf: {  	[tilespmem:s12], [sflag:$0x2] =	stream.indirect_vreg.gather [hbm4b:s5+s3], $0x80, v3, vm0, $0xb8;
	[tilespmem:$0x18200] =	vst v63  }
0xc0: {  	s15 =	simm.s32 $0x3A00  }
0xc1: {  	[tilespmem:s15], [sflag:$0x2] =	stream.indirect_vreg.gather [hbm4b:s6+s3], $0x80, v3, vm0, $0xb8;
	[tilespmem:$0x18200] =	vst v63  }
0xc2: {  	v3 =	vld [tilespmem:$0x70];
	_ =	sdelay $0x4  }
0xc3: {  	v39 =	vshll.u32 v3, $0x3  }
0xc4: {  	v3 =	vand.u32 $0x7, v3;
	v4 =	vand.u32 $0xFFFFFFC0, v39  }
0xc5: {  	v3 =	vor.u32 v3, v4  }
0xc6: {  	v4 =	vperm.xlane v3, v0;
	_ =	sdelay $0x1  }
0xc7: {  	v4 =	vadd.s32 v1, v4;
	_ =	sdelay $0x3  }
0xc8: {  	s16 =	simm.s32 $0x4200  }
0xc9: {  	[tilespmem:s16], [sflag:$0x2] =	stream.indirect_vreg.gather [hbm4b:s1+s3], $0x80, v4, vm0, $0xb8;
	[tilespmem:$0x18200] =	vst v63  }
0xca: {  	s17 =	simm.s32 $0x4A00;
	v3 =	vperm.xlane v3, v2  }
0xcb: {  	[tilespmem:s17], [sflag:$0x2] =	stream.indirect_vreg.gather [hbm4b:s4+s3], $0x80, v4, vm0, $0xb8;
	[tilespmem:$0x18200] =	vst v63  }
0xcc: {  	s15 =	simm.s32 $0x5200;
	v3 =	vadd.s32 v1, v3  }
0xcd: {  	[tilespmem:s15], [sflag:$0x2] =	stream.indirect_vreg.gather [hbm4b:s5+s3], $0x80, v4, vm0, $0xb8;
	[tilespmem:$0x18200] =	vst v63  }
0xce: {  	s16 =	simm.s32 $0x5A00  }
0xcf: {  	[tilespmem:s16], [sflag:$0x2] =	stream.indirect_vreg.gather [hbm4b:s6+s3], $0x80, v4, vm0, $0xb8;
	[tilespmem:$0x18200] =	vst v63  }
0xd0: {  	s17 =	simm.s32 $0x6200  }
0xd1: {  	[tilespmem:s17], [sflag:$0x2] =	stream.indirect_vreg.gather [hbm4b:s1+s3], $0x80, v3, vm0, $0xb8;
	[tilespmem:$0x18200] =	vst v63  }
0xd2: {  	s18 =	simm.s32 $0x6A00  }
0xd3: {  	[tilespmem:s18], [sflag:$0x2] =	stream.indirect_vreg.gather [hbm4b:s4+s3], $0x80, v3, vm0, $0xb8;
	[tilespmem:$0x18200] =	vst v63  }
0xd4: {  	s19 =	simm.s32 $0x7200  }
0xd5: {  	[tilespmem:s19], [sflag:$0x2] =	stream.indirect_vreg.gather [hbm4b:s5+s3], $0x80, v3, vm0, $0xb8;
	[tilespmem:$0x18200] =	vst v63  }
0xd6: {  	s10 =	simm.s32 $0x7A00  }
0xd7: {  	[tilespmem:s10], [sflag:$0x2] =	stream.indirect_vreg.gather [hbm4b:s6+s3], $0x80, v3, vm0, $0xb8;
	[tilespmem:$0x18200] =	vst v63  }
0xd8: {  	_ =	swait.ge [sflag:s0], $0x8000  }
0xd9: {  	[sflag:s0] =	ssyncset.done $0x0  }
0xda: {  	s10 =	simm.s32 $0x10200;
	s13 =	rddreg [dreg:$0x7];
	[sflag:s0] =	ssyncadd.s32 $0xFFFF8000  }
0xdb: {  	[hbm4b:s13+s3] =	stream.linear.scatter [tilespmem:s10], [sflag:$0x7], $0x8000, $0x38;
	[tilespmem:$0x18200] =	vst v63  }
0xdc: {  	_ =	swait.ge [sflag:s28], $0x8000  }
0xdd: {  	[sflag:s28] =	ssyncset.done $0x0  }
0xde: {  	[sflag:s28] =	ssyncadd.s32 $0xFFFF8000  }
0xdf: {  	v3 =	vld [tilespmem:$0x80];
	_ =	sdelay $0x4  }
0xe0: {  	v40 =	vshll.u32 v3, $0x3  }
0xe1: {  	v3 =	vand.u32 $0x7, v3;
	v4 =	vand.u32 $0xFFFFFFC0, v40  }
0xe2: {  	v3 =	vor.u32 v3, v4  }
0xe3: {  	v4 =	vperm.xlane v3, v0;
	_ =	sdelay $0x1  }
0xe4: {  	v4 =	vadd.s32 v1, v4;
	_ =	sdelay $0x4  }
0xe5: {  	[tilespmem:s7], [sflag:$0x3] =	stream.indirect_vreg.gather [hbm4b:s1+s3], $0x80, v4, vm0, $0xb8;
	[tilespmem:$0x18200] =	vst v63  }
0xe6: {  	s30 =	simm.s32 $0x8A00;
	v3 =	vperm.xlane v3, v2  }
0xe7: {  	[tilespmem:s30], [sflag:$0x3] =	stream.indirect_vreg.gather [hbm4b:s4+s3], $0x80, v4, vm0, $0xb8;
	[tilespmem:$0x18200] =	vst v63  }
0xe8: {  	s21 =	simm.s32 $0x9200;
	v3 =	vadd.s32 v1, v3  }
0xe9: {  	[tilespmem:s21], [sflag:$0x3] =	stream.indirect_vreg.gather [hbm4b:s5+s3], $0x80, v4, vm0, $0xb8;
	[tilespmem:$0x18200] =	vst v63  }
0xea: {  	s22 =	simm.s32 $0x9A00  }
0xeb: {  	[tilespmem:s22], [sflag:$0x3] =	stream.indirect_vreg.gather [hbm4b:s6+s3], $0x80, v4, vm0, $0xb8;
	[tilespmem:$0x18200] =	vst v63  }
0xec: {  	s23 =	simm.s32 $0xA200  }
0xed: {  	[tilespmem:s23], [sflag:$0x3] =	stream.indirect_vreg.gather [hbm4b:s1+s3], $0x80, v3, vm0, $0xb8;
	[tilespmem:$0x18200] =	vst v63  }
0xee: {  	s13 =	simm.s32 $0xAA00  }
0xef: {  	[tilespmem:s13], [sflag:$0x3] =	stream.indirect_vreg.gather [hbm4b:s4+s3], $0x80, v3, vm0, $0xb8;
	[tilespmem:$0x18200] =	vst v63  }
0xf0: {  	s31 =	simm.s32 $0xB200  }
0xf1: {  	[tilespmem:s31], [sflag:$0x3] =	stream.indirect_vreg.gather [hbm4b:s5+s3], $0x80, v3, vm0, $0xb8;
	[tilespmem:$0x18200] =	vst v63  }
0xf2: {  	s11 =	simm.s32 $0xBA00  }
0xf3: {  	[tilespmem:s11], [sflag:$0x3] =	stream.indirect_vreg.gather [hbm4b:s6+s3], $0x80, v3, vm0, $0xb8;
	[tilespmem:$0x18200] =	vst v63  }
0xf4: {  	v3 =	vld [tilespmem:$0x90];
	_ =	sdelay $0x4  }
0xf5: {  	v41 =	vshll.u32 v3, $0x3  }
0xf6: {  	v3 =	vand.u32 $0x7, v3;
	v4 =	vand.u32 $0xFFFFFFC0, v41  }
0xf7: {  	v3 =	vor.u32 v3, v4  }
0xf8: {  	v4 =	vperm.xlane v3, v0;
	_ =	sdelay $0x1  }
0xf9: {  	v4 =	vadd.s32 v1, v4;
	_ =	sdelay $0x3  }
0xfa: {  	s21 =	simm.s32 $0xC200  }
0xfb: {  	[tilespmem:s21], [sflag:$0x3] =	stream.indirect_vreg.gather [hbm4b:s1+s3], $0x80, v4, vm0, $0xb8;
	[tilespmem:$0x18200] =	vst v63  }
0xfc: {  	s22 =	simm.s32 $0xCA00;
	v3 =	vperm.xlane v3, v2  }
0xfd: {  	[tilespmem:s22], [sflag:$0x3] =	stream.indirect_vreg.gather [hbm4b:s4+s3], $0x80, v4, vm0, $0xb8;
	[tilespmem:$0x18200] =	vst v63  }
0xfe: {  	s23 =	simm.s32 $0xD200;
	v3 =	vadd.s32 v1, v3  }
0xff: {  	[tilespmem:s23], [sflag:$0x3] =	stream.indirect_vreg.gather [hbm4b:s5+s3], $0x80, v4, vm0, $0xb8;
	[tilespmem:$0x18200] =	vst v63  }
0x100: {  	s30 =	simm.s32 $0xDA00  }
0x101: {  	[tilespmem:s30], [sflag:$0x3] =	stream.indirect_vreg.gather [hbm4b:s6+s3], $0x80, v4, vm0, $0xb8;
	[tilespmem:$0x18200] =	vst v63  }
0x102: {  	s31 =	simm.s32 $0xE200  }
0x103: {  	[tilespmem:s31], [sflag:$0x3] =	stream.indirect_vreg.gather [hbm4b:s1+s3], $0x80, v3, vm0, $0xb8;
	[tilespmem:$0x18200] =	vst v63  }
0x104: {  	s11 =	simm.s32 $0xEA00  }
0x105: {  	[tilespmem:s11], [sflag:$0x3] =	stream.indirect_vreg.gather [hbm4b:s4+s3], $0x80, v3, vm0, $0xb8;
	[tilespmem:$0x18200] =	vst v63  }
0x106: {  	s21 =	simm.s32 $0xF200  }
0x107: {  	[tilespmem:s21], [sflag:$0x3] =	stream.indirect_vreg.gather [hbm4b:s5+s3], $0x80, v3, vm0, $0xb8;
	[tilespmem:$0x18200] =	vst v63  }
0x108: {  	s22 =	simm.s32 $0xFA00  }
0x109: {  	[tilespmem:s22], [sflag:$0x3] =	stream.indirect_vreg.gather [hbm4b:s6+s3], $0x80, v3, vm0, $0xb8;
	[tilespmem:$0x18200] =	vst v63  }
0x10a: {  	_ =	swait.ge [sflag:s8], $0x8000  }
0x10b: {  	[sflag:s8] =	ssyncset.done $0x0  }
0x10c: {  	s9 =	simm.s32 $0x200;
	s23 =	rddreg [dreg:$0x8];
	[sflag:s8] =	ssyncadd.s32 $0xFFFF8000  }
0x10d: {  	[hbm4b:s23+s3] =	stream.linear.scatter [tilespmem:s9], [sflag:$0x5], $0x8000, $0x38;
	[tilespmem:$0x18200] =	vst v63  }
0x10e: {  	_ =	swait.ge [sflag:s29], $0x8000  }
0x10f: {  	[sflag:s29] =	ssyncset.done $0x0  }
0x110: {  	[sflag:s29] =	ssyncadd.s32 $0xFFFF8000  }
0x111: {  	v3 =	vld [tilespmem:$0xA0];
	_ =	sdelay $0x4  }
0x112: {  	v42 =	vshll.u32 v3, $0x3  }
0x113: {  	v3 =	vand.u32 $0x7, v3;
	v4 =	vand.u32 $0xFFFFFFC0, v42  }
0x114: {  	v3 =	vor.u32 v3, v4  }
0x115: {  	v4 =	vperm.xlane v3, v0;
	_ =	sdelay $0x1  }
0x116: {  	v4 =	vadd.s32 v1, v4;
	_ =	sdelay $0x4  }
0x117: {  	[tilespmem:s10], [sflag:$0x4] =	stream.indirect_vreg.gather [hbm4b:s1+s3], $0x80, v4, vm0, $0xb8;
	[tilespmem:$0x18200] =	vst v63  }
0x118: {  	s20 =	simm.s32 $0x10A00;
	v3 =	vperm.xlane v3, v2  }
0x119: {  	[tilespmem:s20], [sflag:$0x4] =	stream.indirect_vreg.gather [hbm4b:s4+s3], $0x80, v4, vm0, $0xb8;
	[tilespmem:$0x18200] =	vst v63  }
0x11a: {  	v3 =	vadd.s32 v1, v3;
	s10 =	simm.s32 $0x11200  }
0x11b: {  	[tilespmem:s10], [sflag:$0x4] =	stream.indirect_vreg.gather [hbm4b:s5+s3], $0x80, v4, vm0, $0xb8;
	[tilespmem:$0x18200] =	vst v63  }
0x11c: {  	s20 =	simm.s32 $0x11A00  }
0x11d: {  	[tilespmem:s20], [sflag:$0x4] =	stream.indirect_vreg.gather [hbm4b:s6+s3], $0x80, v4, vm0, $0xb8;
	[tilespmem:$0x18200] =	vst v63  }
0x11e: {  	s21 =	simm.s32 $0x12200  }
0x11f: {  	[tilespmem:s21], [sflag:$0x4] =	stream.indirect_vreg.gather [hbm4b:s1+s3], $0x80, v3, vm0, $0xb8;
	[tilespmem:$0x18200] =	vst v63  }
0x120: {  	s22 =	simm.s32 $0x12A00  }
0x121: {  	[tilespmem:s22], [sflag:$0x4] =	stream.indirect_vreg.gather [hbm4b:s4+s3], $0x80, v3, vm0, $0xb8;
	[tilespmem:$0x18200] =	vst v63  }
0x122: {  	s23 =	simm.s32 $0x13200  }
0x123: {  	[tilespmem:s23], [sflag:$0x4] =	stream.indirect_vreg.gather [hbm4b:s5+s3], $0x80, v3, vm0, $0xb8;
	[tilespmem:$0x18200] =	vst v63  }
0x124: {  	s24 =	simm.s32 $0x13A00  }
0x125: {  	[tilespmem:s24], [sflag:$0x4] =	stream.indirect_vreg.gather [hbm4b:s6+s3], $0x80, v3, vm0, $0xb8;
	[tilespmem:$0x18200] =	vst v63  }
0x126: {  	v3 =	vld [tilespmem:$0xB0];
	_ =	sdelay $0x4  }
0x127: {  	v43 =	vshll.u32 v3, $0x3  }
0x128: {  	v3 =	vand.u32 $0x7, v3;
	v4 =	vand.u32 $0xFFFFFFC0, v43  }
0x129: {  	v3 =	vor.u32 v3, v4  }
0x12a: {  	v4 =	vperm.xlane v3, v0;
	_ =	sdelay $0x1  }
0x12b: {  	v4 =	vadd.s32 v1, v4;
	_ =	sdelay $0x3  }
0x12c: {  	s26 =	simm.s32 $0x14200  }
0x12d: {  	[tilespmem:s26], [sflag:$0x4] =	stream.indirect_vreg.gather [hbm4b:s1+s3], $0x80, v4, vm0, $0xb8;
	[tilespmem:$0x18200] =	vst v63  }
0x12e: {  	s24 =	simm.s32 $0x14A00;
	v3 =	vperm.xlane v3, v2  }
0x12f: {  	[tilespmem:s24], [sflag:$0x4] =	stream.indirect_vreg.gather [hbm4b:s4+s3], $0x80, v4, vm0, $0xb8;
	[tilespmem:$0x18200] =	vst v63  }
0x130: {  	v3 =	vadd.s32 v1, v3;
	s24 =	simm.s32 $0x15200  }
0x131: {  	[tilespmem:s24], [sflag:$0x4] =	stream.indirect_vreg.gather [hbm4b:s5+s3], $0x80, v4, vm0, $0xb8;
	[tilespmem:$0x18200] =	vst v63  }
0x132: {  	s9 =	simm.s32 $0x15A00  }
0x133: {  	[tilespmem:s9], [sflag:$0x4] =	stream.indirect_vreg.gather [hbm4b:s6+s3], $0x80, v4, vm0, $0xb8;
	[tilespmem:$0x18200] =	vst v63  }
0x134: {  	s26 =	simm.s32 $0x16200  }
0x135: {  	[tilespmem:s26], [sflag:$0x4] =	stream.indirect_vreg.gather [hbm4b:s1+s3], $0x80, v3, vm0, $0xb8;
	[tilespmem:$0x18200] =	vst v63  }
0x136: {  	s26 =	simm.s32 $0x16A00  }
0x137: {  	[tilespmem:s26], [sflag:$0x4] =	stream.indirect_vreg.gather [hbm4b:s4+s3], $0x80, v3, vm0, $0xb8;
	[tilespmem:$0x18200] =	vst v63  }
0x138: {  	s30 =	simm.s32 $0x17200  }
0x139: {  	[tilespmem:s30], [sflag:$0x4] =	stream.indirect_vreg.gather [hbm4b:s5+s3], $0x80, v3, vm0, $0xb8;
	[tilespmem:$0x18200] =	vst v63  }
0x13a: {  	s30 =	simm.s32 $0x17A00  }
0x13b: {  	[tilespmem:s30], [sflag:$0x4] =	stream.indirect_vreg.gather [hbm4b:s6+s3], $0x80, v3, vm0, $0xb8;
	[tilespmem:$0x18200] =	vst v63  }
0x13c: {  	_ =	swait.ge [sflag:s14], $0x8000  }
0x13d: {  	[sflag:s14] =	ssyncset.done $0x0  }
0x13e: {  	s12 =	simm.s32 $0x8200;
	s11 =	rddreg [dreg:$0x9];
	[sflag:s14] =	ssyncadd.s32 $0xFFFF8000  }
0x13f: {  	[hbm4b:s11+s3] =	stream.linear.scatter [tilespmem:s12], [sflag:$0x6], $0x8000, $0x38;
	[tilespmem:$0x18200] =	vst v63  }
0x140: {  	_ =	swait.ge [sflag:s2], $0x8000  }
0x141: {  	[sflag:s2] =	ssyncset.done $0x0  }
0x142: {  	[sflag:s2] =	ssyncadd.s32 $0xFFFF8000  }
0x143: {  	v3 =	vld [tilespmem:$0xC0];
	_ =	sdelay $0x4  }
0x144: {  	v44 =	vshll.u32 v3, $0x3  }
0x145: {  	v3 =	vand.u32 $0x7, v3;
	v4 =	vand.u32 $0xFFFFFFC0, v44  }
0x146: {  	v3 =	vor.u32 v3, v4  }
0x147: {  	v4 =	vperm.xlane v3, v0;
	_ =	sdelay $0x1  }
0x148: {  	v4 =	vadd.s32 v1, v4;
	_ =	sdelay $0x3  }
0x149: {  	s31 =	simm.s32 $0x200  }
0x14a: {  	[tilespmem:s31], [sflag:$0x2] =	stream.indirect_vreg.gather [hbm4b:s1+s3], $0x80, v4, vm0, $0xb8;
	[tilespmem:$0x18200] =	vst v63  }
0x14b: {  	s30 =	simm.s32 $0xA00;
	v3 =	vperm.xlane v3, v2  }
0x14c: {  	[tilespmem:s30], [sflag:$0x2] =	stream.indirect_vreg.gather [hbm4b:s4+s3], $0x80, v4, vm0, $0xb8;
	[tilespmem:$0x18200] =	vst v63  }
0x14d: {  	v3 =	vadd.s32 v1, v3  }
0x14e: {  	[tilespmem:s25], [sflag:$0x2] =	stream.indirect_vreg.gather [hbm4b:s5+s3], $0x80, v4, vm0, $0xb8;
	[tilespmem:$0x18200] =	vst v63  }
0x14f: {  	s25 =	simm.s32 $0x1A00  }
0x150: {  	[tilespmem:s25], [sflag:$0x2] =	stream.indirect_vreg.gather [hbm4b:s6+s3], $0x80, v4, vm0, $0xb8;
	[tilespmem:$0x18200] =	vst v63  }
0x151: {  	s30 =	simm.s32 $0x2200  }
0x152: {  	[tilespmem:s30], [sflag:$0x2] =	stream.indirect_vreg.gather [hbm4b:s1+s3], $0x80, v3, vm0, $0xb8;
	[tilespmem:$0x18200] =	vst v63  }
0x153: {  	s25 =	simm.s32 $0x2A00  }
0x154: {  	[tilespmem:s25], [sflag:$0x2] =	stream.indirect_vreg.gather [hbm4b:s4+s3], $0x80, v3, vm0, $0xb8;
	[tilespmem:$0x18200] =	vst v63  }
0x155: {  	s30 =	simm.s32 $0x3200  }
0x156: {  	[tilespmem:s30], [sflag:$0x2] =	stream.indirect_vreg.gather [hbm4b:s5+s3], $0x80, v3, vm0, $0xb8;
	[tilespmem:$0x18200] =	vst v63  }
0x157: {  	s12 =	simm.s32 $0x3A00  }
0x158: {  	[tilespmem:s12], [sflag:$0x2] =	stream.indirect_vreg.gather [hbm4b:s6+s3], $0x80, v3, vm0, $0xb8;
	[tilespmem:$0x18200] =	vst v63  }
0x159: {  	v3 =	vld [tilespmem:$0xD0];
	_ =	sdelay $0x4  }
0x15a: {  	v45 =	vshll.u32 v3, $0x3  }
0x15b: {  	v3 =	vand.u32 $0x7, v3;
	v4 =	vand.u32 $0xFFFFFFC0, v45  }
0x15c: {  	v3 =	vor.u32 v3, v4  }
0x15d: {  	v4 =	vperm.xlane v3, v0;
	_ =	sdelay $0x1  }
0x15e: {  	v4 =	vadd.s32 v1, v4;
	_ =	sdelay $0x3  }
0x15f: {  	s25 =	simm.s32 $0x4200  }
0x160: {  	[tilespmem:s25], [sflag:$0x2] =	stream.indirect_vreg.gather [hbm4b:s1+s3], $0x80, v4, vm0, $0xb8;
	[tilespmem:$0x18200] =	vst v63  }
0x161: {  	s30 =	simm.s32 $0x4A00;
	v3 =	vperm.xlane v3, v2  }
0x162: {  	[tilespmem:s30], [sflag:$0x2] =	stream.indirect_vreg.gather [hbm4b:s4+s3], $0x80, v4, vm0, $0xb8;
	[tilespmem:$0x18200] =	vst v63  }
0x163: {  	v3 =	vadd.s32 v1, v3  }
0x164: {  	[tilespmem:s15], [sflag:$0x2] =	stream.indirect_vreg.gather [hbm4b:s5+s3], $0x80, v4, vm0, $0xb8;
	[tilespmem:$0x18200] =	vst v63  }
0x165: {  	_ = 	snop  }
0x166: {  	[tilespmem:s16], [sflag:$0x2] =	stream.indirect_vreg.gather [hbm4b:s6+s3], $0x80, v4, vm0, $0xb8;
	[tilespmem:$0x18200] =	vst v63  }
0x167: {  	_ = 	snop  }
0x168: {  	[tilespmem:s17], [sflag:$0x2] =	stream.indirect_vreg.gather [hbm4b:s1+s3], $0x80, v3, vm0, $0xb8;
	[tilespmem:$0x18200] =	vst v63  }
0x169: {  	_ = 	snop  }
0x16a: {  	[tilespmem:s18], [sflag:$0x2] =	stream.indirect_vreg.gather [hbm4b:s4+s3], $0x80, v3, vm0, $0xb8;
	[tilespmem:$0x18200] =	vst v63  }
0x16b: {  	_ = 	snop  }
0x16c: {  	[tilespmem:s19], [sflag:$0x2] =	stream.indirect_vreg.gather [hbm4b:s5+s3], $0x80, v3, vm0, $0xb8;
	[tilespmem:$0x18200] =	vst v63  }
0x16d: {  	s15 =	simm.s32 $0x7A00  }
0x16e: {  	[tilespmem:s15], [sflag:$0x2] =	stream.indirect_vreg.gather [hbm4b:s6+s3], $0x80, v3, vm0, $0xb8;
	[tilespmem:$0x18200] =	vst v63  }
0x16f: {  	_ =	swait.ge [sflag:s0], $0x8000  }
0x170: {  	[sflag:s0] =	ssyncset.done $0x0  }
0x171: {  	s7 =	simm.s32 $0x10200;
	s19 =	rddreg [dreg:$0xa];
	[sflag:s0] =	ssyncadd.s32 $0xFFFF8000  }
0x172: {  	[hbm4b:s19+s3] =	stream.linear.scatter [tilespmem:s7], [sflag:$0x7], $0x8000, $0x38;
	[tilespmem:$0x18200] =	vst v63  }
0x173: {  	_ =	swait.ge [sflag:s28], $0x8000  }
0x174: {  	[sflag:s28] =	ssyncset.done $0x0  }
0x175: {  	[sflag:s28] =	ssyncadd.s32 $0xFFFF8000  }
0x176: {  	v3 =	vld [tilespmem:$0xE0];
	_ =	sdelay $0x4  }
0x177: {  	v46 =	vshll.u32 v3, $0x3  }
0x178: {  	v3 =	vand.u32 $0x7, v3;
	v4 =	vand.u32 $0xFFFFFFC0, v46  }
0x179: {  	v3 =	vor.u32 v3, v4  }
0x17a: {  	v4 =	vperm.xlane v3, v0;
	_ =	sdelay $0x1  }
0x17b: {  	v4 =	vadd.s32 v1, v4;
	_ =	sdelay $0x3  }
0x17c: {  	s11 =	simm.s32 $0x8200  }
0x17d: {  	[tilespmem:s11], [sflag:$0x3] =	stream.indirect_vreg.gather [hbm4b:s1+s3], $0x80, v4, vm0, $0xb8;
	[tilespmem:$0x18200] =	vst v63  }
0x17e: {  	v3 =	vperm.xlane v3, v2;
	s11 =	simm.s32 $0x8A00  }
0x17f: {  	[tilespmem:s11], [sflag:$0x3] =	stream.indirect_vreg.gather [hbm4b:s4+s3], $0x80, v4, vm0, $0xb8;
	[tilespmem:$0x18200] =	vst v63  }
0x180: {  	s7 =	simm.s32 $0x9200;
	v3 =	vadd.s32 v1, v3  }
0x181: {  	[tilespmem:s7], [sflag:$0x3] =	stream.indirect_vreg.gather [hbm4b:s5+s3], $0x80, v4, vm0, $0xb8;
	[tilespmem:$0x18200] =	vst v63  }
0x182: {  	s16 =	simm.s32 $0x9A00  }
0x183: {  	[tilespmem:s16], [sflag:$0x3] =	stream.indirect_vreg.gather [hbm4b:s6+s3], $0x80, v4, vm0, $0xb8;
	[tilespmem:$0x18200] =	vst v63  }
0x184: {  	s17 =	simm.s32 $0xA200  }
0x185: {  	[tilespmem:s17], [sflag:$0x3] =	stream.indirect_vreg.gather [hbm4b:s1+s3], $0x80, v3, vm0, $0xb8;
	[tilespmem:$0x18200] =	vst v63  }
0x186: {  	_ = 	snop  }
0x187: {  	[tilespmem:s13], [sflag:$0x3] =	stream.indirect_vreg.gather [hbm4b:s4+s3], $0x80, v3, vm0, $0xb8;
	[tilespmem:$0x18200] =	vst v63  }
0x188: {  	s13 =	simm.s32 $0xB200  }
0x189: {  	[tilespmem:s13], [sflag:$0x3] =	stream.indirect_vreg.gather [hbm4b:s5+s3], $0x80, v3, vm0, $0xb8;
	[tilespmem:$0x18200] =	vst v63  }
0x18a: {  	s30 =	simm.s32 $0xBA00  }
0x18b: {  	[tilespmem:s30], [sflag:$0x3] =	stream.indirect_vreg.gather [hbm4b:s6+s3], $0x80, v3, vm0, $0xb8;
	[tilespmem:$0x18200] =	vst v63  }
0x18c: {  	v3 =	vld [tilespmem:$0xF0];
	_ =	sdelay $0x4  }
0x18d: {  	v47 =	vshll.u32 v3, $0x3  }
0x18e: {  	v3 =	vand.u32 $0x7, v3;
	v4 =	vand.u32 $0xFFFFFFC0, v47  }
0x18f: {  	v3 =	vor.u32 v3, v4  }
0x190: {  	v4 =	vperm.xlane v3, v0;
	_ =	sdelay $0x1  }
0x191: {  	v4 =	vadd.s32 v1, v4;
	_ =	sdelay $0x3  }
0x192: {  	s13 =	simm.s32 $0xC200  }
0x193: {  	[tilespmem:s13], [sflag:$0x3] =	stream.indirect_vreg.gather [hbm4b:s1+s3], $0x80, v4, vm0, $0xb8;
	[tilespmem:$0x18200] =	vst v63  }
0x194: {  	s30 =	simm.s32 $0xCA00;
	v3 =	vperm.xlane v3, v2  }
0x195: {  	[tilespmem:s30], [sflag:$0x3] =	stream.indirect_vreg.gather [hbm4b:s4+s3], $0x80, v4, vm0, $0xb8;
	[tilespmem:$0x18200] =	vst v63  }
0x196: {  	v3 =	vadd.s32 v1, v3;
	s13 =	simm.s32 $0xD200  }
0x197: {  	[tilespmem:s13], [sflag:$0x3] =	stream.indirect_vreg.gather [hbm4b:s5+s3], $0x80, v4, vm0, $0xb8;
	[tilespmem:$0x18200] =	vst v63  }
0x198: {  	s30 =	simm.s32 $0xDA00  }
0x199: {  	[tilespmem:s30], [sflag:$0x3] =	stream.indirect_vreg.gather [hbm4b:s6+s3], $0x80, v4, vm0, $0xb8;
	[tilespmem:$0x18200] =	vst v63  }
0x19a: {  	s13 =	simm.s32 $0xE200  }
0x19b: {  	[tilespmem:s13], [sflag:$0x3] =	stream.indirect_vreg.gather [hbm4b:s1+s3], $0x80, v3, vm0, $0xb8;
	[tilespmem:$0x18200] =	vst v63  }
0x19c: {  	s30 =	simm.s32 $0xEA00  }
0x19d: {  	[tilespmem:s30], [sflag:$0x3] =	stream.indirect_vreg.gather [hbm4b:s4+s3], $0x80, v3, vm0, $0xb8;
	[tilespmem:$0x18200] =	vst v63  }
0x19e: {  	s13 =	simm.s32 $0xF200  }
0x19f: {  	[tilespmem:s13], [sflag:$0x3] =	stream.indirect_vreg.gather [hbm4b:s5+s3], $0x80, v3, vm0, $0xb8;
	[tilespmem:$0x18200] =	vst v63  }
0x1a0: {  	s30 =	simm.s32 $0xFA00  }
0x1a1: {  	[tilespmem:s30], [sflag:$0x3] =	stream.indirect_vreg.gather [hbm4b:s6+s3], $0x80, v3, vm0, $0xb8;
	[tilespmem:$0x18200] =	vst v63  }
0x1a2: {  	_ =	swait.ge [sflag:s8], $0x8000  }
0x1a3: {  	[sflag:s8] =	ssyncset.done $0x0  }
0x1a4: {  	s31 =	simm.s32 $0x200;
	s13 =	rddreg [dreg:$0xb];
	[sflag:s8] =	ssyncadd.s32 $0xFFFF8000  }
0x1a5: {  	[hbm4b:s13+s3] =	stream.linear.scatter [tilespmem:s31], [sflag:$0x5], $0x8000, $0x38;
	[tilespmem:$0x18200] =	vst v63  }
0x1a6: {  	_ =	swait.ge [sflag:s29], $0x8000  }
0x1a7: {  	[sflag:s29] =	ssyncset.done $0x0  }
0x1a8: {  	[sflag:s29] =	ssyncadd.s32 $0xFFFF8000  }
0x1a9: {  	v3 =	vld [tilespmem:$0x100];
	_ =	sdelay $0x4  }
0x1aa: {  	v48 =	vshll.u32 v3, $0x3  }
0x1ab: {  	v3 =	vand.u32 $0x7, v3;
	v4 =	vand.u32 $0xFFFFFFC0, v48  }
0x1ac: {  	v3 =	vor.u32 v3, v4  }
0x1ad: {  	v4 =	vperm.xlane v3, v0;
	_ =	sdelay $0x1  }
0x1ae: {  	v4 =	vadd.s32 v1, v4;
	_ =	sdelay $0x3  }
0x1af: {  	s18 =	simm.s32 $0x10200  }
0x1b0: {  	[tilespmem:s18], [sflag:$0x4] =	stream.indirect_vreg.gather [hbm4b:s1+s3], $0x80, v4, vm0, $0xb8;
	[tilespmem:$0x18200] =	vst v63  }
0x1b1: {  	s30 =	simm.s32 $0x10A00;
	v3 =	vperm.xlane v3, v2  }
0x1b2: {  	[tilespmem:s30], [sflag:$0x4] =	stream.indirect_vreg.gather [hbm4b:s4+s3], $0x80, v4, vm0, $0xb8;
	[tilespmem:$0x18200] =	vst v63  }
0x1b3: {  	v3 =	vadd.s32 v1, v3  }
0x1b4: {  	[tilespmem:s10], [sflag:$0x4] =	stream.indirect_vreg.gather [hbm4b:s5+s3], $0x80, v4, vm0, $0xb8;
	[tilespmem:$0x18200] =	vst v63  }
0x1b5: {  	_ = 	snop  }
0x1b6: {  	[tilespmem:s20], [sflag:$0x4] =	stream.indirect_vreg.gather [hbm4b:s6+s3], $0x80, v4, vm0, $0xb8;
	[tilespmem:$0x18200] =	vst v63  }
0x1b7: {  	_ = 	snop  }
0x1b8: {  	[tilespmem:s21], [sflag:$0x4] =	stream.indirect_vreg.gather [hbm4b:s1+s3], $0x80, v3, vm0, $0xb8;
	[tilespmem:$0x18200] =	vst v63  }
0x1b9: {  	_ = 	snop  }
0x1ba: {  	[tilespmem:s22], [sflag:$0x4] =	stream.indirect_vreg.gather [hbm4b:s4+s3], $0x80, v3, vm0, $0xb8;
	[tilespmem:$0x18200] =	vst v63  }
0x1bb: {  	_ = 	snop  }
0x1bc: {  	[tilespmem:s23], [sflag:$0x4] =	stream.indirect_vreg.gather [hbm4b:s5+s3], $0x80, v3, vm0, $0xb8;
	[tilespmem:$0x18200] =	vst v63  }
0x1bd: {  	s31 =	simm.s32 $0x13A00  }
0x1be: {  	[tilespmem:s31], [sflag:$0x4] =	stream.indirect_vreg.gather [hbm4b:s6+s3], $0x80, v3, vm0, $0xb8;
	[tilespmem:$0x18200] =	vst v63  }
0x1bf: {  	v3 =	vld [tilespmem:$0x110];
	_ =	sdelay $0x4  }
0x1c0: {  	v49 =	vshll.u32 v3, $0x3  }
0x1c1: {  	v3 =	vand.u32 $0x7, v3;
	v4 =	vand.u32 $0xFFFFFFC0, v49  }
0x1c2: {  	v3 =	vor.u32 v3, v4  }
0x1c3: {  	v4 =	vperm.xlane v3, v0;
	_ =	sdelay $0x1  }
0x1c4: {  	v4 =	vadd.s32 v1, v4;
	_ =	sdelay $0x3  }
0x1c5: {  	s30 =	simm.s32 $0x14200  }
0x1c6: {  	[tilespmem:s30], [sflag:$0x4] =	stream.indirect_vreg.gather [hbm4b:s1+s3], $0x80, v4, vm0, $0xb8;
	[tilespmem:$0x18200] =	vst v63  }
0x1c7: {  	s31 =	simm.s32 $0x14A00;
	v3 =	vperm.xlane v3, v2  }
0x1c8: {  	[tilespmem:s31], [sflag:$0x4] =	stream.indirect_vreg.gather [hbm4b:s4+s3], $0x80, v4, vm0, $0xb8;
	[tilespmem:$0x18200] =	vst v63  }
0x1c9: {  	v3 =	vadd.s32 v1, v3  }
0x1ca: {  	[tilespmem:s24], [sflag:$0x4] =	stream.indirect_vreg.gather [hbm4b:s5+s3], $0x80, v4, vm0, $0xb8;
	[tilespmem:$0x18200] =	vst v63  }
0x1cb: {  	_ = 	snop  }
0x1cc: {  	[tilespmem:s9], [sflag:$0x4] =	stream.indirect_vreg.gather [hbm4b:s6+s3], $0x80, v4, vm0, $0xb8;
	[tilespmem:$0x18200] =	vst v63  }
0x1cd: {  	s20 =	simm.s32 $0x16200  }
0x1ce: {  	[tilespmem:s20], [sflag:$0x4] =	stream.indirect_vreg.gather [hbm4b:s1+s3], $0x80, v3, vm0, $0xb8;
	[tilespmem:$0x18200] =	vst v63  }
0x1cf: {  	_ = 	snop  }
0x1d0: {  	[tilespmem:s26], [sflag:$0x4] =	stream.indirect_vreg.gather [hbm4b:s4+s3], $0x80, v3, vm0, $0xb8;
	[tilespmem:$0x18200] =	vst v63  }
0x1d1: {  	s30 =	simm.s32 $0x17200  }
0x1d2: {  	[tilespmem:s30], [sflag:$0x4] =	stream.indirect_vreg.gather [hbm4b:s5+s3], $0x80, v3, vm0, $0xb8;
	[tilespmem:$0x18200] =	vst v63  }
0x1d3: {  	s30 =	simm.s32 $0x17A00  }
0x1d4: {  	[tilespmem:s30], [sflag:$0x4] =	stream.indirect_vreg.gather [hbm4b:s6+s3], $0x80, v3, vm0, $0xb8;
	[tilespmem:$0x18200] =	vst v63  }
0x1d5: {  	_ =	swait.ge [sflag:s14], $0x8000  }
0x1d6: {  	[sflag:s14] =	ssyncset.done $0x0  }
0x1d7: {  	s19 =	simm.s32 $0x8200;
	s9 =	rddreg [dreg:$0xc];
	[sflag:s14] =	ssyncadd.s32 $0xFFFF8000  }
0x1d8: {  	[hbm4b:s9+s3] =	stream.linear.scatter [tilespmem:s19], [sflag:$0x6], $0x8000, $0x38;
	[tilespmem:$0x18200] =	vst v63  }
0x1d9: {  	_ =	swait.ge [sflag:s2], $0x8000  }
0x1da: {  	[sflag:s2] =	ssyncset.done $0x0  }
0x1db: {  	[sflag:s2] =	ssyncadd.s32 $0xFFFF8000  }
0x1dc: {  	v3 =	vld [tilespmem:$0x120];
	_ =	sdelay $0x4  }
0x1dd: {  	v50 =	vshll.u32 v3, $0x3  }
0x1de: {  	v3 =	vand.u32 $0x7, v3;
	v4 =	vand.u32 $0xFFFFFFC0, v50  }
0x1df: {  	v3 =	vor.u32 v3, v4  }
0x1e0: {  	v4 =	vperm.xlane v3, v0;
	_ =	sdelay $0x1  }
0x1e1: {  	v4 =	vadd.s32 v1, v4;
	_ =	sdelay $0x3  }
0x1e2: {  	s13 =	simm.s32 $0x200  }
0x1e3: {  	[tilespmem:s13], [sflag:$0x2] =	stream.indirect_vreg.gather [hbm4b:s1+s3], $0x80, v4, vm0, $0xb8;
	[tilespmem:$0x18200] =	vst v63  }
0x1e4: {  	s30 =	simm.s32 $0xA00;
	v3 =	vperm.xlane v3, v2  }
0x1e5: {  	[tilespmem:s30], [sflag:$0x2] =	stream.indirect_vreg.gather [hbm4b:s4+s3], $0x80, v4, vm0, $0xb8;
	[tilespmem:$0x18200] =	vst v63  }
0x1e6: {  	v3 =	vadd.s32 v1, v3;
	s30 =	simm.s32 $0x1200  }
0x1e7: {  	[tilespmem:s30], [sflag:$0x2] =	stream.indirect_vreg.gather [hbm4b:s5+s3], $0x80, v4, vm0, $0xb8;
	[tilespmem:$0x18200] =	vst v63  }
0x1e8: {  	s30 =	simm.s32 $0x1A00  }
0x1e9: {  	[tilespmem:s30], [sflag:$0x2] =	stream.indirect_vreg.gather [hbm4b:s6+s3], $0x80, v4, vm0, $0xb8;
	[tilespmem:$0x18200] =	vst v63  }
0x1ea: {  	s30 =	simm.s32 $0x2200  }
0x1eb: {  	[tilespmem:s30], [sflag:$0x2] =	stream.indirect_vreg.gather [hbm4b:s1+s3], $0x80, v3, vm0, $0xb8;
	[tilespmem:$0x18200] =	vst v63  }
0x1ec: {  	s30 =	simm.s32 $0x2A00  }
0x1ed: {  	[tilespmem:s30], [sflag:$0x2] =	stream.indirect_vreg.gather [hbm4b:s4+s3], $0x80, v3, vm0, $0xb8;
	[tilespmem:$0x18200] =	vst v63  }
0x1ee: {  	s30 =	simm.s32 $0x3200  }
0x1ef: {  	[tilespmem:s30], [sflag:$0x2] =	stream.indirect_vreg.gather [hbm4b:s5+s3], $0x80, v3, vm0, $0xb8;
	[tilespmem:$0x18200] =	vst v63  }
0x1f0: {  	_ = 	snop  }
0x1f1: {  	[tilespmem:s12], [sflag:$0x2] =	stream.indirect_vreg.gather [hbm4b:s6+s3], $0x80, v3, vm0, $0xb8;
	[tilespmem:$0x18200] =	vst v63  }
0x1f2: {  	v3 =	vld [tilespmem:$0x130];
	_ =	sdelay $0x4  }
0x1f3: {  	v51 =	vshll.u32 v3, $0x3  }
0x1f4: {  	v3 =	vand.u32 $0x7, v3;
	v4 =	vand.u32 $0xFFFFFFC0, v51  }
0x1f5: {  	v3 =	vor.u32 v3, v4  }
0x1f6: {  	v4 =	vperm.xlane v3, v0;
	_ =	sdelay $0x1  }
0x1f7: {  	v4 =	vadd.s32 v1, v4;
	_ =	sdelay $0x4  }
0x1f8: {  	[tilespmem:s25], [sflag:$0x2] =	stream.indirect_vreg.gather [hbm4b:s1+s3], $0x80, v4, vm0, $0xb8;
	[tilespmem:$0x18200] =	vst v63  }
0x1f9: {  	s12 =	simm.s32 $0x4A00;
	v3 =	vperm.xlane v3, v2  }
0x1fa: {  	[tilespmem:s12], [sflag:$0x2] =	stream.indirect_vreg.gather [hbm4b:s4+s3], $0x80, v4, vm0, $0xb8;
	[tilespmem:$0x18200] =	vst v63  }
0x1fb: {  	s30 =	simm.s32 $0x5200;
	v3 =	vadd.s32 v1, v3  }
0x1fc: {  	[tilespmem:s30], [sflag:$0x2] =	stream.indirect_vreg.gather [hbm4b:s5+s3], $0x80, v4, vm0, $0xb8;
	[tilespmem:$0x18200] =	vst v63  }
0x1fd: {  	s12 =	simm.s32 $0x5A00  }
0x1fe: {  	[tilespmem:s12], [sflag:$0x2] =	stream.indirect_vreg.gather [hbm4b:s6+s3], $0x80, v4, vm0, $0xb8;
	[tilespmem:$0x18200] =	vst v63  }
0x1ff: {  	s30 =	simm.s32 $0x6200  }
0x200: {  	[tilespmem:s30], [sflag:$0x2] =	stream.indirect_vreg.gather [hbm4b:s1+s3], $0x80, v3, vm0, $0xb8;
	[tilespmem:$0x18200] =	vst v63  }
0x201: {  	s12 =	simm.s32 $0x6A00  }
0x202: {  	[tilespmem:s12], [sflag:$0x2] =	stream.indirect_vreg.gather [hbm4b:s4+s3], $0x80, v3, vm0, $0xb8;
	[tilespmem:$0x18200] =	vst v63  }
0x203: {  	s30 =	simm.s32 $0x7200  }
0x204: {  	[tilespmem:s30], [sflag:$0x2] =	stream.indirect_vreg.gather [hbm4b:s5+s3], $0x80, v3, vm0, $0xb8;
	[tilespmem:$0x18200] =	vst v63  }
0x205: {  	_ = 	snop  }
0x206: {  	[tilespmem:s15], [sflag:$0x2] =	stream.indirect_vreg.gather [hbm4b:s6+s3], $0x80, v3, vm0, $0xb8;
	[tilespmem:$0x18200] =	vst v63  }
0x207: {  	_ =	swait.ge [sflag:s0], $0x8000  }
0x208: {  	[sflag:s0] =	ssyncset.done $0x0  }
0x209: {  	s9 =	rddreg [dreg:$0xd];
	[sflag:s0] =	ssyncadd.s32 $0xFFFF8000  }
0x20a: {  	[hbm4b:s9+s3] =	stream.linear.scatter [tilespmem:s18], [sflag:$0x7], $0x8000, $0x38;
	[tilespmem:$0x18200] =	vst v63  }
0x20b: {  	_ =	swait.ge [sflag:s28], $0x8000  }
0x20c: {  	[sflag:s28] =	ssyncset.done $0x0  }
0x20d: {  	[sflag:s28] =	ssyncadd.s32 $0xFFFF8000  }
0x20e: {  	v3 =	vld [tilespmem:$0x140];
	_ =	sdelay $0x4  }
0x20f: {  	v52 =	vshll.u32 v3, $0x3  }
0x210: {  	v3 =	vand.u32 $0x7, v3;
	v4 =	vand.u32 $0xFFFFFFC0, v52  }
0x211: {  	v3 =	vor.u32 v3, v4  }
0x212: {  	v4 =	vperm.xlane v3, v0;
	_ =	sdelay $0x1  }
0x213: {  	v4 =	vadd.s32 v1, v4;
	_ =	sdelay $0x4  }
0x214: {  	[tilespmem:s19], [sflag:$0x3] =	stream.indirect_vreg.gather [hbm4b:s1+s3], $0x80, v4, vm0, $0xb8;
	[tilespmem:$0x18200] =	vst v63  }
0x215: {  	s12 =	simm.s32 $0x8A00;
	v3 =	vperm.xlane v3, v2  }
0x216: {  	[tilespmem:s12], [sflag:$0x3] =	stream.indirect_vreg.gather [hbm4b:s4+s3], $0x80, v4, vm0, $0xb8;
	[tilespmem:$0x18200] =	vst v63  }
0x217: {  	v3 =	vadd.s32 v1, v3  }
0x218: {  	[tilespmem:s7], [sflag:$0x3] =	stream.indirect_vreg.gather [hbm4b:s5+s3], $0x80, v4, vm0, $0xb8;
	[tilespmem:$0x18200] =	vst v63  }
0x219: {  	_ = 	snop  }
0x21a: {  	[tilespmem:s16], [sflag:$0x3] =	stream.indirect_vreg.gather [hbm4b:s6+s3], $0x80, v4, vm0, $0xb8;
	[tilespmem:$0x18200] =	vst v63  }
0x21b: {  	_ = 	snop  }
0x21c: {  	[tilespmem:s17], [sflag:$0x3] =	stream.indirect_vreg.gather [hbm4b:s1+s3], $0x80, v3, vm0, $0xb8;
	[tilespmem:$0x18200] =	vst v63  }
0x21d: {  	s15 =	simm.s32 $0xAA00  }
0x21e: {  	[tilespmem:s15], [sflag:$0x3] =	stream.indirect_vreg.gather [hbm4b:s4+s3], $0x80, v3, vm0, $0xb8;
	[tilespmem:$0x18200] =	vst v63  }
0x21f: {  	s30 =	simm.s32 $0xB200  }
0x220: {  	[tilespmem:s30], [sflag:$0x3] =	stream.indirect_vreg.gather [hbm4b:s5+s3], $0x80, v3, vm0, $0xb8;
	[tilespmem:$0x18200] =	vst v63  }
0x221: {  	s12 =	simm.s32 $0xBA00  }
0x222: {  	[tilespmem:s12], [sflag:$0x3] =	stream.indirect_vreg.gather [hbm4b:s6+s3], $0x80, v3, vm0, $0xb8;
	[tilespmem:$0x18200] =	vst v63  }
0x223: {  	v3 =	vld [tilespmem:$0x150];
	_ =	sdelay $0x4  }
0x224: {  	v53 =	vshll.u32 v3, $0x3  }
0x225: {  	v3 =	vand.u32 $0x7, v3;
	v4 =	vand.u32 $0xFFFFFFC0, v53  }
0x226: {  	v3 =	vor.u32 v3, v4  }
0x227: {  	v4 =	vperm.xlane v3, v0;
	_ =	sdelay $0x1  }
0x228: {  	v4 =	vadd.s32 v1, v4;
	_ =	sdelay $0x3  }
0x229: {  	s15 =	simm.s32 $0xC200  }
0x22a: {  	[tilespmem:s15], [sflag:$0x3] =	stream.indirect_vreg.gather [hbm4b:s1+s3], $0x80, v4, vm0, $0xb8;
	[tilespmem:$0x18200] =	vst v63  }
0x22b: {  	s30 =	simm.s32 $0xCA00;
	v3 =	vperm.xlane v3, v2  }
0x22c: {  	[tilespmem:s30], [sflag:$0x3] =	stream.indirect_vreg.gather [hbm4b:s4+s3], $0x80, v4, vm0, $0xb8;
	[tilespmem:$0x18200] =	vst v63  }
0x22d: {  	s12 =	simm.s32 $0xD200;
	v3 =	vadd.s32 v1, v3  }
0x22e: {  	[tilespmem:s12], [sflag:$0x3] =	stream.indirect_vreg.gather [hbm4b:s5+s3], $0x80, v4, vm0, $0xb8;
	[tilespmem:$0x18200] =	vst v63  }
0x22f: {  	s15 =	simm.s32 $0xDA00  }
0x230: {  	[tilespmem:s15], [sflag:$0x3] =	stream.indirect_vreg.gather [hbm4b:s6+s3], $0x80, v4, vm0, $0xb8;
	[tilespmem:$0x18200] =	vst v63  }
0x231: {  	s30 =	simm.s32 $0xE200  }
0x232: {  	[tilespmem:s30], [sflag:$0x3] =	stream.indirect_vreg.gather [hbm4b:s1+s3], $0x80, v3, vm0, $0xb8;
	[tilespmem:$0x18200] =	vst v63  }
0x233: {  	s12 =	simm.s32 $0xEA00  }
0x234: {  	[tilespmem:s12], [sflag:$0x3] =	stream.indirect_vreg.gather [hbm4b:s4+s3], $0x80, v3, vm0, $0xb8;
	[tilespmem:$0x18200] =	vst v63  }
0x235: {  	s15 =	simm.s32 $0xF200  }
0x236: {  	[tilespmem:s15], [sflag:$0x3] =	stream.indirect_vreg.gather [hbm4b:s5+s3], $0x80, v3, vm0, $0xb8;
	[tilespmem:$0x18200] =	vst v63  }
0x237: {  	s30 =	simm.s32 $0xFA00  }
0x238: {  	[tilespmem:s30], [sflag:$0x3] =	stream.indirect_vreg.gather [hbm4b:s6+s3], $0x80, v3, vm0, $0xb8;
	[tilespmem:$0x18200] =	vst v63  }
0x239: {  	_ =	swait.ge [sflag:s8], $0x8000  }
0x23a: {  	[sflag:s8] =	ssyncset.done $0x0  }
0x23b: {  	s9 =	rddreg [dreg:$0xe];
	[sflag:s8] =	ssyncadd.s32 $0xFFFF8000  }
0x23c: {  	[hbm4b:s9+s3] =	stream.linear.scatter [tilespmem:s13], [sflag:$0x5], $0x8000, $0x38;
	[tilespmem:$0x18200] =	vst v63  }
0x23d: {  	_ =	swait.ge [sflag:s29], $0x8000  }
0x23e: {  	[sflag:s29] =	ssyncset.done $0x0  }
0x23f: {  	[sflag:s29] =	ssyncadd.s32 $0xFFFF8000  }
0x240: {  	v3 =	vld [tilespmem:$0x160];
	_ =	sdelay $0x4  }
0x241: {  	v54 =	vshll.u32 v3, $0x3  }
0x242: {  	v3 =	vand.u32 $0x7, v3;
	v4 =	vand.u32 $0xFFFFFFC0, v54  }
0x243: {  	v3 =	vor.u32 v3, v4  }
0x244: {  	v4 =	vperm.xlane v3, v0;
	_ =	sdelay $0x1  }
0x245: {  	v4 =	vadd.s32 v1, v4;
	_ =	sdelay $0x4  }
0x246: {  	[tilespmem:s18], [sflag:$0x4] =	stream.indirect_vreg.gather [hbm4b:s1+s3], $0x80, v4, vm0, $0xb8;
	[tilespmem:$0x18200] =	vst v63  }
0x247: {  	s12 =	simm.s32 $0x10A00;
	v3 =	vperm.xlane v3, v2  }
0x248: {  	[tilespmem:s12], [sflag:$0x4] =	stream.indirect_vreg.gather [hbm4b:s4+s3], $0x80, v4, vm0, $0xb8;
	[tilespmem:$0x18200] =	vst v63  }
0x249: {  	s11 =	simm.s32 $0x11200;
	v3 =	vadd.s32 v1, v3  }
0x24a: {  	[tilespmem:s11], [sflag:$0x4] =	stream.indirect_vreg.gather [hbm4b:s5+s3], $0x80, v4, vm0, $0xb8;
	[tilespmem:$0x18200] =	vst v63  }
0x24b: {  	s10 =	simm.s32 $0x11A00  }
0x24c: {  	[tilespmem:s10], [sflag:$0x4] =	stream.indirect_vreg.gather [hbm4b:s6+s3], $0x80, v4, vm0, $0xb8;
	[tilespmem:$0x18200] =	vst v63  }
0x24d: {  	s21 =	simm.s32 $0x12200  }
0x24e: {  	[tilespmem:s21], [sflag:$0x4] =	stream.indirect_vreg.gather [hbm4b:s1+s3], $0x80, v3, vm0, $0xb8;
	[tilespmem:$0x18200] =	vst v63  }
0x24f: {  	s22 =	simm.s32 $0x12A00  }
0x250: {  	[tilespmem:s22], [sflag:$0x4] =	stream.indirect_vreg.gather [hbm4b:s4+s3], $0x80, v3, vm0, $0xb8;
	[tilespmem:$0x18200] =	vst v63  }
0x251: {  	s23 =	simm.s32 $0x13200  }
0x252: {  	[tilespmem:s23], [sflag:$0x4] =	stream.indirect_vreg.gather [hbm4b:s5+s3], $0x80, v3, vm0, $0xb8;
	[tilespmem:$0x18200] =	vst v63  }
0x253: {  	s15 =	simm.s32 $0x13A00  }
0x254: {  	[tilespmem:s15], [sflag:$0x4] =	stream.indirect_vreg.gather [hbm4b:s6+s3], $0x80, v3, vm0, $0xb8;
	[tilespmem:$0x18200] =	vst v63  }
0x255: {  	v3 =	vld [tilespmem:$0x170];
	_ =	sdelay $0x4  }
0x256: {  	v55 =	vshll.u32 v3, $0x3  }
0x257: {  	v3 =	vand.u32 $0x7, v3;
	v4 =	vand.u32 $0xFFFFFFC0, v55  }
0x258: {  	v3 =	vor.u32 v3, v4  }
0x259: {  	v4 =	vperm.xlane v3, v0;
	_ =	sdelay $0x1  }
0x25a: {  	v4 =	vadd.s32 v1, v4;
	_ =	sdelay $0x3  }
0x25b: {  	s23 =	simm.s32 $0x14200  }
0x25c: {  	[tilespmem:s23], [sflag:$0x4] =	stream.indirect_vreg.gather [hbm4b:s1+s3], $0x80, v4, vm0, $0xb8;
	[tilespmem:$0x18200] =	vst v63  }
0x25d: {  	s30 =	simm.s32 $0x14A00;
	v3 =	vperm.xlane v3, v2  }
0x25e: {  	[tilespmem:s30], [sflag:$0x4] =	stream.indirect_vreg.gather [hbm4b:s4+s3], $0x80, v4, vm0, $0xb8;
	[tilespmem:$0x18200] =	vst v63  }
0x25f: {  	s24 =	simm.s32 $0x15200;
	v3 =	vadd.s32 v1, v3  }
0x260: {  	[tilespmem:s24], [sflag:$0x4] =	stream.indirect_vreg.gather [hbm4b:s5+s3], $0x80, v4, vm0, $0xb8;
	[tilespmem:$0x18200] =	vst v63  }
0x261: {  	s31 =	simm.s32 $0x15A00  }
0x262: {  	[tilespmem:s31], [sflag:$0x4] =	stream.indirect_vreg.gather [hbm4b:s6+s3], $0x80, v4, vm0, $0xb8;
	[tilespmem:$0x18200] =	vst v63  }
0x263: {  	s20 =	simm.s32 $0x16200  }
0x264: {  	[tilespmem:s20], [sflag:$0x4] =	stream.indirect_vreg.gather [hbm4b:s1+s3], $0x80, v3, vm0, $0xb8;
	[tilespmem:$0x18200] =	vst v63  }
0x265: {  	s26 =	simm.s32 $0x16A00  }
0x266: {  	[tilespmem:s26], [sflag:$0x4] =	stream.indirect_vreg.gather [hbm4b:s4+s3], $0x80, v3, vm0, $0xb8;
	[tilespmem:$0x18200] =	vst v63  }
0x267: {  	s15 =	simm.s32 $0x17200  }
0x268: {  	[tilespmem:s15], [sflag:$0x4] =	stream.indirect_vreg.gather [hbm4b:s5+s3], $0x80, v3, vm0, $0xb8;
	[tilespmem:$0x18200] =	vst v63  }
0x269: {  	s30 =	simm.s32 $0x17A00  }
0x26a: {  	[tilespmem:s30], [sflag:$0x4] =	stream.indirect_vreg.gather [hbm4b:s6+s3], $0x80, v3, vm0, $0xb8;
	[tilespmem:$0x18200] =	vst v63  }
0x26b: {  	_ =	swait.ge [sflag:s14], $0x8000  }
0x26c: {  	[sflag:s14] =	ssyncset.done $0x0  }
0x26d: {  	s31 =	rddreg [dreg:$0xf];
	[sflag:s14] =	ssyncadd.s32 $0xFFFF8000  }
0x26e: {  	[hbm4b:s31+s3] =	stream.linear.scatter [tilespmem:s19], [sflag:$0x6], $0x8000, $0x38;
	[tilespmem:$0x18200] =	vst v63  }
0x26f: {  	_ =	swait.ge [sflag:s2], $0x8000  }
0x270: {  	[sflag:s2] =	ssyncset.done $0x0  }
0x271: {  	[sflag:s2] =	ssyncadd.s32 $0xFFFF8000  }
0x272: {  	v3 =	vld [tilespmem:$0x180];
	_ =	sdelay $0x4  }
0x273: {  	v56 =	vshll.u32 v3, $0x3  }
0x274: {  	v3 =	vand.u32 $0x7, v3;
	v4 =	vand.u32 $0xFFFFFFC0, v56  }
0x275: {  	v3 =	vor.u32 v3, v4  }
0x276: {  	v4 =	vperm.xlane v3, v0;
	_ =	sdelay $0x1  }
0x277: {  	v4 =	vadd.s32 v1, v4;
	_ =	sdelay $0x4  }
0x278: {  	[tilespmem:s13], [sflag:$0x2] =	stream.indirect_vreg.gather [hbm4b:s1+s3], $0x80, v4, vm0, $0xb8;
	[tilespmem:$0x18200] =	vst v63  }
0x279: {  	s15 =	simm.s32 $0xA00;
	v3 =	vperm.xlane v3, v2  }
0x27a: {  	[tilespmem:s15], [sflag:$0x2] =	stream.indirect_vreg.gather [hbm4b:s4+s3], $0x80, v4, vm0, $0xb8;
	[tilespmem:$0x18200] =	vst v63  }
0x27b: {  	s30 =	simm.s32 $0x1200;
	v3 =	vadd.s32 v1, v3  }
0x27c: {  	[tilespmem:s30], [sflag:$0x2] =	stream.indirect_vreg.gather [hbm4b:s5+s3], $0x80, v4, vm0, $0xb8;
	[tilespmem:$0x18200] =	vst v63  }
0x27d: {  	s30 =	simm.s32 $0x1A00  }
0x27e: {  	[tilespmem:s30], [sflag:$0x2] =	stream.indirect_vreg.gather [hbm4b:s6+s3], $0x80, v4, vm0, $0xb8;
	[tilespmem:$0x18200] =	vst v63  }
0x27f: {  	s30 =	simm.s32 $0x2200  }
0x280: {  	[tilespmem:s30], [sflag:$0x2] =	stream.indirect_vreg.gather [hbm4b:s1+s3], $0x80, v3, vm0, $0xb8;
	[tilespmem:$0x18200] =	vst v63  }
0x281: {  	s30 =	simm.s32 $0x2A00  }
0x282: {  	[tilespmem:s30], [sflag:$0x2] =	stream.indirect_vreg.gather [hbm4b:s4+s3], $0x80, v3, vm0, $0xb8;
	[tilespmem:$0x18200] =	vst v63  }
0x283: {  	s30 =	simm.s32 $0x3200  }
0x284: {  	[tilespmem:s30], [sflag:$0x2] =	stream.indirect_vreg.gather [hbm4b:s5+s3], $0x80, v3, vm0, $0xb8;
	[tilespmem:$0x18200] =	vst v63  }
0x285: {  	s30 =	simm.s32 $0x3A00  }
0x286: {  	[tilespmem:s30], [sflag:$0x2] =	stream.indirect_vreg.gather [hbm4b:s6+s3], $0x80, v3, vm0, $0xb8;
	[tilespmem:$0x18200] =	vst v63  }
0x287: {  	v3 =	vld [tilespmem:$0x190];
	_ =	sdelay $0x4  }
0x288: {  	v57 =	vshll.u32 v3, $0x3  }
0x289: {  	v3 =	vand.u32 $0x7, v3;
	v4 =	vand.u32 $0xFFFFFFC0, v57  }
0x28a: {  	v3 =	vor.u32 v3, v4  }
0x28b: {  	v4 =	vperm.xlane v3, v0;
	_ =	sdelay $0x1  }
0x28c: {  	v4 =	vadd.s32 v1, v4;
	_ =	sdelay $0x3  }
0x28d: {  	s25 =	simm.s32 $0x4200  }
0x28e: {  	[tilespmem:s25], [sflag:$0x2] =	stream.indirect_vreg.gather [hbm4b:s1+s3], $0x80, v4, vm0, $0xb8;
	[tilespmem:$0x18200] =	vst v63  }
0x28f: {  	s30 =	simm.s32 $0x4A00;
	v3 =	vperm.xlane v3, v2  }
0x290: {  	[tilespmem:s30], [sflag:$0x2] =	stream.indirect_vreg.gather [hbm4b:s4+s3], $0x80, v4, vm0, $0xb8;
	[tilespmem:$0x18200] =	vst v63  }
0x291: {  	v3 =	vadd.s32 v1, v3;
	s30 =	simm.s32 $0x5200  }
0x292: {  	[tilespmem:s30], [sflag:$0x2] =	stream.indirect_vreg.gather [hbm4b:s5+s3], $0x80, v4, vm0, $0xb8;
	[tilespmem:$0x18200] =	vst v63  }
0x293: {  	s30 =	simm.s32 $0x5A00  }
0x294: {  	[tilespmem:s30], [sflag:$0x2] =	stream.indirect_vreg.gather [hbm4b:s6+s3], $0x80, v4, vm0, $0xb8;
	[tilespmem:$0x18200] =	vst v63  }
0x295: {  	s30 =	simm.s32 $0x6200  }
0x296: {  	[tilespmem:s30], [sflag:$0x2] =	stream.indirect_vreg.gather [hbm4b:s1+s3], $0x80, v3, vm0, $0xb8;
	[tilespmem:$0x18200] =	vst v63  }
0x297: {  	s30 =	simm.s32 $0x6A00  }
0x298: {  	[tilespmem:s30], [sflag:$0x2] =	stream.indirect_vreg.gather [hbm4b:s4+s3], $0x80, v3, vm0, $0xb8;
	[tilespmem:$0x18200] =	vst v63  }
0x299: {  	s30 =	simm.s32 $0x7200  }
0x29a: {  	[tilespmem:s30], [sflag:$0x2] =	stream.indirect_vreg.gather [hbm4b:s5+s3], $0x80, v3, vm0, $0xb8;
	[tilespmem:$0x18200] =	vst v63  }
0x29b: {  	s30 =	simm.s32 $0x7A00  }
0x29c: {  	[tilespmem:s30], [sflag:$0x2] =	stream.indirect_vreg.gather [hbm4b:s6+s3], $0x80, v3, vm0, $0xb8;
	[tilespmem:$0x18200] =	vst v63  }
0x29d: {  	_ =	swait.ge [sflag:s0], $0x8000  }
0x29e: {  	[sflag:s0] =	ssyncset.done $0x0  }
0x29f: {  	s30 =	rddreg [dreg:$0x10];
	[sflag:s0] =	ssyncadd.s32 $0xFFFF8000  }
0x2a0: {  	[hbm4b:s30+s3] =	stream.linear.scatter [tilespmem:s18], [sflag:$0x7], $0x8000, $0x38;
	[tilespmem:$0x18200] =	vst v63  }
0x2a1: {  	_ =	swait.ge [sflag:s28], $0x8000  }
0x2a2: {  	[sflag:s28] =	ssyncset.done $0x0  }
0x2a3: {  	[sflag:s28] =	ssyncadd.s32 $0xFFFF8000  }
0x2a4: {  	v3 =	vld [tilespmem:$0x1A0];
	_ =	sdelay $0x4  }
0x2a5: {  	v58 =	vshll.u32 v3, $0x3  }
0x2a6: {  	v3 =	vand.u32 $0x7, v3;
	v4 =	vand.u32 $0xFFFFFFC0, v58  }
0x2a7: {  	v3 =	vor.u32 v3, v4  }
0x2a8: {  	v4 =	vperm.xlane v3, v0;
	_ =	sdelay $0x1  }
0x2a9: {  	v4 =	vadd.s32 v1, v4;
	_ =	sdelay $0x4  }
0x2aa: {  	[tilespmem:s19], [sflag:$0x3] =	stream.indirect_vreg.gather [hbm4b:s1+s3], $0x80, v4, vm0, $0xb8;
	[tilespmem:$0x18200] =	vst v63  }
0x2ab: {  	s30 =	simm.s32 $0x8A00;
	v3 =	vperm.xlane v3, v2  }
0x2ac: {  	[tilespmem:s30], [sflag:$0x3] =	stream.indirect_vreg.gather [hbm4b:s4+s3], $0x80, v4, vm0, $0xb8;
	[tilespmem:$0x18200] =	vst v63  }
0x2ad: {  	s7 =	simm.s32 $0x9200;
	v3 =	vadd.s32 v1, v3  }
0x2ae: {  	[tilespmem:s7], [sflag:$0x3] =	stream.indirect_vreg.gather [hbm4b:s5+s3], $0x80, v4, vm0, $0xb8;
	[tilespmem:$0x18200] =	vst v63  }
0x2af: {  	s16 =	simm.s32 $0x9A00  }
0x2b0: {  	[tilespmem:s16], [sflag:$0x3] =	stream.indirect_vreg.gather [hbm4b:s6+s3], $0x80, v4, vm0, $0xb8;
	[tilespmem:$0x18200] =	vst v63  }
0x2b1: {  	s17 =	simm.s32 $0xA200  }
0x2b2: {  	[tilespmem:s17], [sflag:$0x3] =	stream.indirect_vreg.gather [hbm4b:s1+s3], $0x80, v3, vm0, $0xb8;
	[tilespmem:$0x18200] =	vst v63  }
0x2b3: {  	s17 =	simm.s32 $0xAA00  }
0x2b4: {  	[tilespmem:s17], [sflag:$0x3] =	stream.indirect_vreg.gather [hbm4b:s4+s3], $0x80, v3, vm0, $0xb8;
	[tilespmem:$0x18200] =	vst v63  }
0x2b5: {  	s30 =	simm.s32 $0xB200  }
0x2b6: {  	[tilespmem:s30], [sflag:$0x3] =	stream.indirect_vreg.gather [hbm4b:s5+s3], $0x80, v3, vm0, $0xb8;
	[tilespmem:$0x18200] =	vst v63  }
0x2b7: {  	s16 =	simm.s32 $0xBA00  }
0x2b8: {  	[tilespmem:s16], [sflag:$0x3] =	stream.indirect_vreg.gather [hbm4b:s6+s3], $0x80, v3, vm0, $0xb8;
	[tilespmem:$0x18200] =	vst v63  }
0x2b9: {  	v3 =	vld [tilespmem:$0x1B0];
	_ =	sdelay $0x4  }
0x2ba: {  	v59 =	vshll.u32 v3, $0x3  }
0x2bb: {  	v3 =	vand.u32 $0x7, v3;
	v4 =	vand.u32 $0xFFFFFFC0, v59  }
0x2bc: {  	v3 =	vor.u32 v3, v4  }
0x2bd: {  	v4 =	vperm.xlane v3, v0;
	_ =	sdelay $0x1  }
0x2be: {  	v4 =	vadd.s32 v1, v4;
	_ =	sdelay $0x3  }
0x2bf: {  	s17 =	simm.s32 $0xC200  }
0x2c0: {  	[tilespmem:s17], [sflag:$0x3] =	stream.indirect_vreg.gather [hbm4b:s1+s3], $0x80, v4, vm0, $0xb8;
	[tilespmem:$0x18200] =	vst v63  }
0x2c1: {  	s30 =	simm.s32 $0xCA00;
	v3 =	vperm.xlane v3, v2  }
0x2c2: {  	[tilespmem:s30], [sflag:$0x3] =	stream.indirect_vreg.gather [hbm4b:s4+s3], $0x80, v4, vm0, $0xb8;
	[tilespmem:$0x18200] =	vst v63  }
0x2c3: {  	s16 =	simm.s32 $0xD200;
	v3 =	vadd.s32 v1, v3  }
0x2c4: {  	[tilespmem:s16], [sflag:$0x3] =	stream.indirect_vreg.gather [hbm4b:s5+s3], $0x80, v4, vm0, $0xb8;
	[tilespmem:$0x18200] =	vst v63  }
0x2c5: {  	s17 =	simm.s32 $0xDA00  }
0x2c6: {  	[tilespmem:s17], [sflag:$0x3] =	stream.indirect_vreg.gather [hbm4b:s6+s3], $0x80, v4, vm0, $0xb8;
	[tilespmem:$0x18200] =	vst v63  }
0x2c7: {  	s30 =	simm.s32 $0xE200  }
0x2c8: {  	[tilespmem:s30], [sflag:$0x3] =	stream.indirect_vreg.gather [hbm4b:s1+s3], $0x80, v3, vm0, $0xb8;
	[tilespmem:$0x18200] =	vst v63  }
0x2c9: {  	s16 =	simm.s32 $0xEA00  }
0x2ca: {  	[tilespmem:s16], [sflag:$0x3] =	stream.indirect_vreg.gather [hbm4b:s4+s3], $0x80, v3, vm0, $0xb8;
	[tilespmem:$0x18200] =	vst v63  }
0x2cb: {  	s17 =	simm.s32 $0xF200  }
0x2cc: {  	[tilespmem:s17], [sflag:$0x3] =	stream.indirect_vreg.gather [hbm4b:s5+s3], $0x80, v3, vm0, $0xb8;
	[tilespmem:$0x18200] =	vst v63  }
0x2cd: {  	s30 =	simm.s32 $0xFA00  }
0x2ce: {  	[tilespmem:s30], [sflag:$0x3] =	stream.indirect_vreg.gather [hbm4b:s6+s3], $0x80, v3, vm0, $0xb8;
	[tilespmem:$0x18200] =	vst v63  }
0x2cf: {  	_ =	swait.ge [sflag:s8], $0x8000  }
0x2d0: {  	[sflag:s8] =	ssyncset.done $0x0  }
0x2d1: {  	s7 =	rddreg [dreg:$0x11];
	[sflag:s8] =	ssyncadd.s32 $0xFFFF8000  }
0x2d2: {  	[hbm4b:s7+s3] =	stream.linear.scatter [tilespmem:s13], [sflag:$0x5], $0x8000, $0x38;
	[tilespmem:$0x18200] =	vst v63  }
0x2d3: {  	_ =	swait.ge [sflag:s29], $0x8000  }
0x2d4: {  	[sflag:s29] =	ssyncset.done $0x0  }
0x2d5: {  	[sflag:s29] =	ssyncadd.s32 $0xFFFF8000  }
0x2d6: {  	v3 =	vld [tilespmem:$0x1C0];
	_ =	sdelay $0x4  }
0x2d7: {  	v60 =	vshll.u32 v3, $0x3  }
0x2d8: {  	v3 =	vand.u32 $0x7, v3;
	v4 =	vand.u32 $0xFFFFFFC0, v60  }
0x2d9: {  	v3 =	vor.u32 v3, v4  }
0x2da: {  	v4 =	vperm.xlane v3, v0;
	_ =	sdelay $0x1  }
0x2db: {  	v4 =	vadd.s32 v1, v4;
	_ =	sdelay $0x4  }
0x2dc: {  	[tilespmem:s18], [sflag:$0x4] =	stream.indirect_vreg.gather [hbm4b:s1+s3], $0x80, v4, vm0, $0xb8;
	[tilespmem:$0x18200] =	vst v63  }
0x2dd: {  	s16 =	simm.s32 $0x10A00;
	v3 =	vperm.xlane v3, v2  }
0x2de: {  	[tilespmem:s16], [sflag:$0x4] =	stream.indirect_vreg.gather [hbm4b:s4+s3], $0x80, v4, vm0, $0xb8;
	[tilespmem:$0x18200] =	vst v63  }
0x2df: {  	s11 =	simm.s32 $0x11200;
	v3 =	vadd.s32 v1, v3  }
0x2e0: {  	[tilespmem:s11], [sflag:$0x4] =	stream.indirect_vreg.gather [hbm4b:s5+s3], $0x80, v4, vm0, $0xb8;
	[tilespmem:$0x18200] =	vst v63  }
0x2e1: {  	s9 =	simm.s32 $0x11A00  }
0x2e2: {  	[tilespmem:s9], [sflag:$0x4] =	stream.indirect_vreg.gather [hbm4b:s6+s3], $0x80, v4, vm0, $0xb8;
	[tilespmem:$0x18200] =	vst v63  }
0x2e3: {  	s12 =	simm.s32 $0x12200  }
0x2e4: {  	[tilespmem:s12], [sflag:$0x4] =	stream.indirect_vreg.gather [hbm4b:s1+s3], $0x80, v3, vm0, $0xb8;
	[tilespmem:$0x18200] =	vst v63  }
0x2e5: {  	s21 =	simm.s32 $0x12A00  }
0x2e6: {  	[tilespmem:s21], [sflag:$0x4] =	stream.indirect_vreg.gather [hbm4b:s4+s3], $0x80, v3, vm0, $0xb8;
	[tilespmem:$0x18200] =	vst v63  }
0x2e7: {  	s22 =	simm.s32 $0x13200  }
0x2e8: {  	[tilespmem:s22], [sflag:$0x4] =	stream.indirect_vreg.gather [hbm4b:s5+s3], $0x80, v3, vm0, $0xb8;
	[tilespmem:$0x18200] =	vst v63  }
0x2e9: {  	s17 =	simm.s32 $0x13A00  }
0x2ea: {  	[tilespmem:s17], [sflag:$0x4] =	stream.indirect_vreg.gather [hbm4b:s6+s3], $0x80, v3, vm0, $0xb8;
	[tilespmem:$0x18200] =	vst v63  }
0x2eb: {  	v3 =	vld [tilespmem:$0x1D0];
	_ =	sdelay $0x4  }
0x2ec: {  	v61 =	vshll.u32 v3, $0x3  }
0x2ed: {  	v3 =	vand.u32 $0x7, v3;
	v4 =	vand.u32 $0xFFFFFFC0, v61  }
0x2ee: {  	v3 =	vor.u32 v3, v4  }
0x2ef: {  	v4 =	vperm.xlane v3, v0;
	_ =	sdelay $0x1  }
0x2f0: {  	v4 =	vadd.s32 v1, v4;
	_ =	sdelay $0x3  }
0x2f1: {  	s21 =	simm.s32 $0x14200  }
0x2f2: {  	[tilespmem:s21], [sflag:$0x4] =	stream.indirect_vreg.gather [hbm4b:s1+s3], $0x80, v4, vm0, $0xb8;
	[tilespmem:$0x18200] =	vst v63  }
0x2f3: {  	s22 =	simm.s32 $0x14A00;
	v3 =	vperm.xlane v3, v2  }
0x2f4: {  	[tilespmem:s22], [sflag:$0x4] =	stream.indirect_vreg.gather [hbm4b:s4+s3], $0x80, v4, vm0, $0xb8;
	[tilespmem:$0x18200] =	vst v63  }
0x2f5: {  	s23 =	simm.s32 $0x15200;
	v3 =	vadd.s32 v1, v3  }
0x2f6: {  	[tilespmem:s23], [sflag:$0x4] =	stream.indirect_vreg.gather [hbm4b:s5+s3], $0x80, v4, vm0, $0xb8;
	[tilespmem:$0x18200] =	vst v63  }
0x2f7: {  	s24 =	simm.s32 $0x15A00  }
0x2f8: {  	[tilespmem:s24], [sflag:$0x4] =	stream.indirect_vreg.gather [hbm4b:s6+s3], $0x80, v4, vm0, $0xb8;
	[tilespmem:$0x18200] =	vst v63  }
0x2f9: {  	s10 =	simm.s32 $0x16200  }
0x2fa: {  	[tilespmem:s10], [sflag:$0x4] =	stream.indirect_vreg.gather [hbm4b:s1+s3], $0x80, v3, vm0, $0xb8;
	[tilespmem:$0x18200] =	vst v63  }
0x2fb: {  	s20 =	simm.s32 $0x16A00  }
0x2fc: {  	[tilespmem:s20], [sflag:$0x4] =	stream.indirect_vreg.gather [hbm4b:s4+s3], $0x80, v3, vm0, $0xb8;
	[tilespmem:$0x18200] =	vst v63  }
0x2fd: {  	s26 =	simm.s32 $0x17200  }
0x2fe: {  	[tilespmem:s26], [sflag:$0x4] =	stream.indirect_vreg.gather [hbm4b:s5+s3], $0x80, v3, vm0, $0xb8;
	[tilespmem:$0x18200] =	vst v63  }
0x2ff: {  	s30 =	simm.s32 $0x17A00  }
0x300: {  	[tilespmem:s30], [sflag:$0x4] =	stream.indirect_vreg.gather [hbm4b:s6+s3], $0x80, v3, vm0, $0xb8;
	[tilespmem:$0x18200] =	vst v63  }
0x301: {  	_ =	swait.ge [sflag:s14], $0x8000  }
0x302: {  	[sflag:s14] =	ssyncset.done $0x0  }
0x303: {  	s7 =	rddreg [dreg:$0x12];
	[sflag:s14] =	ssyncadd.s32 $0xFFFF8000  }
0x304: {  	[hbm4b:s7+s3] =	stream.linear.scatter [tilespmem:s19], [sflag:$0x6], $0x8000, $0x38;
	[tilespmem:$0x18200] =	vst v63  }
0x305: {  	_ =	swait.ge [sflag:s2], $0x8000  }
0x306: {  	[sflag:s2] =	ssyncset.done $0x0  }
0x307: {  	[sflag:s2] =	ssyncadd.s32 $0xFFFF8000  }
0x308: {  	v3 =	vld [tilespmem:$0x1E0];
	_ =	sdelay $0x4  }
0x309: {  	v62 =	vshll.u32 v3, $0x3  }
0x30a: {  	v3 =	vand.u32 $0x7, v3;
	v4 =	vand.u32 $0xFFFFFFC0, v62  }
0x30b: {  	v3 =	vor.u32 v3, v4  }
0x30c: {  	v4 =	vperm.xlane v3, v0;
	_ =	sdelay $0x1  }
0x30d: {  	v4 =	vadd.s32 v1, v4;
	_ =	sdelay $0x4  }
0x30e: {  	[tilespmem:s13], [sflag:$0x2] =	stream.indirect_vreg.gather [hbm4b:s1+s3], $0x80, v4, vm0, $0xb8;
	[tilespmem:$0x18200] =	vst v63  }
0x30f: {  	s31 =	simm.s32 $0xA00;
	v3 =	vperm.xlane v3, v2  }
0x310: {  	[tilespmem:s31], [sflag:$0x2] =	stream.indirect_vreg.gather [hbm4b:s4+s3], $0x80, v4, vm0, $0xb8;
	[tilespmem:$0x18200] =	vst v63  }
0x311: {  	s9 =	simm.s32 $0x1200;
	v3 =	vadd.s32 v1, v3  }
0x312: {  	[tilespmem:s9], [sflag:$0x2] =	stream.indirect_vreg.gather [hbm4b:s5+s3], $0x80, v4, vm0, $0xb8;
	[tilespmem:$0x18200] =	vst v63  }
0x313: {  	s10 =	simm.s32 $0x1A00  }
0x314: {  	[tilespmem:s10], [sflag:$0x2] =	stream.indirect_vreg.gather [hbm4b:s6+s3], $0x80, v4, vm0, $0xb8;
	[tilespmem:$0x18200] =	vst v63  }
0x315: {  	s11 =	simm.s32 $0x2200  }
0x316: {  	[tilespmem:s11], [sflag:$0x2] =	stream.indirect_vreg.gather [hbm4b:s1+s3], $0x80, v3, vm0, $0xb8;
	[tilespmem:$0x18200] =	vst v63  }
0x317: {  	s12 =	simm.s32 $0x2A00  }
0x318: {  	[tilespmem:s12], [sflag:$0x2] =	stream.indirect_vreg.gather [hbm4b:s4+s3], $0x80, v3, vm0, $0xb8;
	[tilespmem:$0x18200] =	vst v63  }
0x319: {  	s16 =	simm.s32 $0x3200  }
0x31a: {  	[tilespmem:s16], [sflag:$0x2] =	stream.indirect_vreg.gather [hbm4b:s5+s3], $0x80, v3, vm0, $0xb8;
	[tilespmem:$0x18200] =	vst v63  }
0x31b: {  	s15 =	simm.s32 $0x3A00  }
0x31c: {  	[tilespmem:s15], [sflag:$0x2] =	stream.indirect_vreg.gather [hbm4b:s6+s3], $0x80, v3, vm0, $0xb8;
	[tilespmem:$0x18200] =	vst v63  }
0x31d: {  	v3 =	vld [tilespmem:$0x1F0];
	_ =	sdelay $0x4  }
0x31e: {  	v63 =	vshll.u32 v3, $0x3  }
0x31f: {  	v3 =	vand.u32 $0x7, v3;
	v4 =	vand.u32 $0xFFFFFFC0, v63  }
0x320: {  	v3 =	vor.u32 v3, v4  }
0x321: {  	v4 =	vperm.xlane v3, v0;
	_ =	sdelay $0x1  }
0x322: {  	v4 =	vadd.s32 v1, v4;
	_ =	sdelay $0x3  }
0x323: {  	s25 =	simm.s32 $0x4200  }
0x324: {  	[tilespmem:s25], [sflag:$0x2] =	stream.indirect_vreg.gather [hbm4b:s1+s3], $0x80, v4, vm0, $0xb8;
	[tilespmem:$0x18200] =	vst v63  }
0x325: {  	s17 =	simm.s32 $0x4A00;
	v3 =	vperm.xlane v3, v2  }
0x326: {  	[tilespmem:s17], [sflag:$0x2] =	stream.indirect_vreg.gather [hbm4b:s4+s3], $0x80, v4, vm0, $0xb8;
	[tilespmem:$0x18200] =	vst v63  }
0x327: {  	s19 =	simm.s32 $0x5200;
	v3 =	vadd.s32 v1, v3  }
0x328: {  	[tilespmem:s19], [sflag:$0x2] =	stream.indirect_vreg.gather [hbm4b:s5+s3], $0x80, v4, vm0, $0xb8;
	[tilespmem:$0x18200] =	vst v63  }
0x329: {  	s20 =	simm.s32 $0x5A00  }
0x32a: {  	[tilespmem:s20], [sflag:$0x2] =	stream.indirect_vreg.gather [hbm4b:s6+s3], $0x80, v4, vm0, $0xb8;
	[tilespmem:$0x18200] =	vst v63  }
0x32b: {  	s21 =	simm.s32 $0x6200  }
0x32c: {  	[tilespmem:s21], [sflag:$0x2] =	stream.indirect_vreg.gather [hbm4b:s1+s3], $0x80, v3, vm0, $0xb8;
	[tilespmem:$0x18200] =	vst v63  }
0x32d: {  	s22 =	simm.s32 $0x6A00  }
0x32e: {  	[tilespmem:s22], [sflag:$0x2] =	stream.indirect_vreg.gather [hbm4b:s4+s3], $0x80, v3, vm0, $0xb8;
	[tilespmem:$0x18200] =	vst v63  }
0x32f: {  	s23 =	simm.s32 $0x7200  }
0x330: {  	[tilespmem:s23], [sflag:$0x2] =	stream.indirect_vreg.gather [hbm4b:s5+s3], $0x80, v3, vm0, $0xb8;
	[tilespmem:$0x18200] =	vst v63  }
0x331: {  	s24 =	simm.s32 $0x7A00  }
0x332: {  	[tilespmem:s24], [sflag:$0x2] =	stream.indirect_vreg.gather [hbm4b:s6+s3], $0x80, v3, vm0, $0xb8;
	[tilespmem:$0x18200] =	vst v63  }
0x333: {  	_ =	swait.ge [sflag:s0], $0x8000  }
0x334: {  	[sflag:s0] =	ssyncset.done $0x0  }
0x335: {  	s25 =	rddreg [dreg:$0x13];
	[sflag:s0] =	ssyncadd.s32 $0xFFFF8000  }
0x336: {  	[hbm4b:s25+s3] =	stream.linear.scatter [tilespmem:s18], [sflag:$0x7], $0x8000, $0x38;
	[tilespmem:$0x18200] =	vst v63  }
0x337: {  	_ =	swait.ge [sflag:s28], $0x8000  }
0x338: {  	[sflag:s28] =	ssyncset.done $0x0  }
0x339: {  	[sflag:s28] =	ssyncadd.s32 $0xFFFF8000  }
0x33a: {  	_ =	swait.ge [sflag:s29], $0x8000  }
0x33b: {  	[sflag:s29] =	ssyncset.done $0x0  }
0x33c: {  	[sflag:s29] =	ssyncadd.s32 $0xFFFF8000  }
0x33d: {  	_ =	swait.ge [sflag:s8], $0x8000  }
0x33e: {  	s31 =	rddreg [dreg:$0x15]  }
0x33f: {  	[sflag:s8] =	ssyncset.done $0x0;
	p0 =	sne.s32 s31, $0x1  }
.Ltmp0:
0x340: {  	s26 =	rddreg [dreg:$0x14];
	[sflag:s8] =	ssyncadd.s32 $0xFFFF8000;
	(pc) =	sbr.rel @p0 .LBB2_1-.Ltmp0, $4  }
0x341: {  	[hbm4b:s26+s3] =	stream.linear.scatter [tilespmem:s13], [sflag:$0x5], $0x8000, $0x38;
	[tilespmem:$0x18200] =	vst v63  }
0x342: {  	_ =	swait.ge [sflag:s2], $0x8000  }
0x343: {  	[sflag:s2] =	ssyncset.done $0x0  }
0x344: {  	s7 =	sadd.s32 $0xFFFFFFFF, s31;
	[sflag:s2] =	ssyncadd.s32 $0xFFFF8000  }
0x345: {  	_ =	sfence.sel $0x180000  }
0x346: {  	[bflag:$0x0] =	sbarrier.arrive $0xFFFF  }
0x347: {  	_ =	strace $0x90000047  }
0x348: {  	s0 =	stileid.u32;
	[bflag:$0x2] =	sbarrier.arrive $0xFFFF  }
0x349: {  	p0 =	sne.s32 s0, $0x0;
	s0 =	rddreg [dreg:$0x3]  }
0x34a: {  	s0 =	sadd.s32 @!p0 $0x100000, s0  }
0x34b: {  	[sflag:s0] =	ssyncadd.tile.s32 @!p0 $0x1;
	_ =	shalt  }
.Lfunc_end2:
_tile_overlayer_lowered:
.L_overlay_start_2:
0x34c: {  	(tag) =	ssettag $0x2  }
0x34d: {  	s0 =	rddreg [dreg:$0x0];
	s2 =	stileid.u32  }
0x34e: {  	s1 =	rddreg [dreg:$0x1];
	p0 =	sne.s32 s2, $0x0  }
0x34f: {  	s3 =	rddreg [dreg:$0x2];
	[bflag:$0x3] =	sbarrier.arrive $0xFFFF;
	s2 =	simm.s32 @!p0 $0x1C08  }
0x350: {  	[timem:s3], [sflag:s2] =	dma.local @!p0 [hbm:s0], s1  }
0x351: {  	s0 =	simm.s32 @!p0 $0x8  }
0x352: {  	_ =	swait.ge @!p0 [sflag:s0], s1  }
0x353: {  	s1 =	ssub.s32 @!p0 $0x0, s1;
	[sflag:s0] =	ssyncset.done @!p0 $0x0  }
0x354: {  	[sflag:s0] =	ssyncadd.s32 @!p0 s1  }
0x355: {  	[bflag:$0x3] =	sbarrier.arrive $0xFFFF  }
0x356: {  	_ =	shalt  }

</sc_bundles>
